<compile_context>
chip_gen: v7x
topology: tpu7x:2x2x1
jax: 0.10.2.dev20260603
libtpu: 0.0.44.dev20260713+nightly
codegen_flags: <defaults>
</compile_context>

<pallas_src>
import functools
import jax
import jax.numpy as jnp
from jax import lax
from jax.experimental import pallas as pl
from jax.experimental.pallas import tpu as pltpu
from jax.experimental.pallas import tpu_sc as plsc

NC = 2
NS = 16
NW = NC * NS
B = 128
CPT = 80
EPT = B * CPT
EPAD = NW * EPT
TROWS = 32
H = B // 2


def _tbl_body(e1_ref, e2_ref, out_ref):
  c = lax.broadcasted_iota(jnp.int32, (TROWS, 1), 0)
  i6 = lax.broadcasted_iota(jnp.int32, (1, 6), 1)
  i3 = lax.broadcasted_iota(jnp.int32, (1, 3), 1)
  s1 = (c // 3 == i6).astype(jnp.float32)
  s2 = ((c % 3 == i3) & (c < 18)).astype(jnp.float32)
  out_ref[...] = (jnp.dot(s1, e1_ref[...], preferred_element_type=jnp.float32)
                  + jnp.dot(s2, e2_ref[...], preferred_element_type=jnp.float32))


def _tc_table(ee1, ee2):
  d = ee1.shape[1]
  return pl.pallas_call(
      _tbl_body,
      out_shape=jax.ShapeDtypeStruct((TROWS, d), jnp.float32),
  )(ee1, ee2)


def _sc_scatter(x, srcp, dstp, combop, tbl, n_pad):
  D = x.shape[1]
  rpt = n_pad // NS
  mesh = plsc.VectorSubcoreMesh(core_axis_name="c", subcore_axis_name="s")

  @functools.partial(
      pl.kernel,
      out_type=[
          jax.ShapeDtypeStruct((NC, n_pad, D), jnp.float32),
      ],
      mesh=mesh,
      scratch_types=[
          pltpu.VMEM((H,), jnp.int32),
          pltpu.VMEM((H,), jnp.int32),
          pltpu.VMEM((H,), jnp.int32),
          pltpu.VMEM((H,), jnp.int32),
          pltpu.VMEM((H,), jnp.int32),
          pltpu.VMEM((H,), jnp.int32),
          pltpu.VMEM((H,), jnp.int32),
          pltpu.VMEM((H,), jnp.int32),
          pltpu.VMEM((H,), jnp.int32),
          pltpu.VMEM((H,), jnp.int32),
          pltpu.VMEM((H,), jnp.int32),
          pltpu.VMEM((H,), jnp.int32),
          pltpu.VMEM((H, 128), jnp.float32),
          pltpu.VMEM((H, 128), jnp.float32),
          pltpu.VMEM((H, 128), jnp.float32),
          pltpu.VMEM((H, 128), jnp.float32),
          pltpu.VMEM_SHARED((n_pad, 128), jnp.float32),
          pltpu.SemaphoreType.DMA,
          pltpu.SemaphoreType.DMA,
          pltpu.SemaphoreType.DMA,
          pltpu.SemaphoreType.DMA,
          pltpu.SemaphoreType.DMA,
          pltpu.SemaphoreType.DMA,
          pltpu.SemaphoreType.DMA,
          pltpu.SemaphoreType.DMA,
      ],
  )
  def k(x_hbm, src_hbm, dst_hbm, combo_hbm, tbl_hbm, aggr_out,
        src_a0, src_a1, src_b0, src_b1, dst_a0, dst_a1, dst_b0, dst_b1,
        combo_a0, combo_a1, combo_b0, combo_b1,
        rx0_v, rx1_v, rt0_v, rt1_v, aggr_sh,
        gsem_x0, gsem_x1, gsem_t0, gsem_t1,
        ssem_x0, ssem_x1, ssem_t0, ssem_t1):
    c = lax.axis_index("c")
    s = lax.axis_index("s")
    wid = c * NS + s

    def zero_rows(i, carry):
      def zcol(j, carry2):
        rt0_v[i, pl.ds(j * 16, 16)] = jnp.zeros((16,), jnp.float32)
        return carry2
      return lax.fori_loop(0, 128 // 16, zcol, carry)
    lax.fori_loop(0, H, zero_rows, 0)

    def zero_shared(j, carry):
      pltpu.sync_copy(rt0_v, aggr_sh.at[pl.ds(s * rpt + j * H, H)])
      return carry
    lax.fori_loop(0, rpt // H, zero_shared, 0)

    plsc.subcore_barrier()

    def stage_idx(g, idx):
      base = 2 * (wid * CPT + g)
      pltpu.sync_copy(src_hbm.at[base], idx[0])
      pltpu.sync_copy(src_hbm.at[base + 1], idx[1])
      pltpu.sync_copy(dst_hbm.at[base], idx[2])
      pltpu.sync_copy(dst_hbm.at[base + 1], idx[3])
      pltpu.sync_copy(combo_hbm.at[base], idx[4])
      pltpu.sync_copy(combo_hbm.at[base + 1], idx[5])

    def gathers(idx):
      pltpu.async_copy(x_hbm.at[idx[0]], rx0_v, gsem_x0)
      pltpu.async_copy(x_hbm.at[idx[1]], rx1_v, gsem_x1)
      pltpu.async_copy(tbl_hbm.at[idx[4]], rt0_v, gsem_t0)
      pltpu.async_copy(tbl_hbm.at[idx[5]], rt1_v, gsem_t1)

    set_a = (src_a0, src_a1, dst_a0, dst_a1, combo_a0, combo_a1)
    set_b = (src_b0, src_b1, dst_b0, dst_b1, combo_b0, combo_b1)

    stage_idx(0, set_a)
    gathers(set_a)

    def pair(p, carry):
      for q, (idx, idx2) in enumerate([(set_a, set_b), (set_b, set_a)]):
        g = 2 * p + q
        pltpu.make_async_copy(x_hbm.at[idx[0]], rx0_v, gsem_x0).wait()
        pltpu.make_async_copy(x_hbm.at[idx[1]], rx1_v, gsem_x1).wait()
        pltpu.make_async_copy(tbl_hbm.at[idx[4]], rt0_v, gsem_t0).wait()
        pltpu.make_async_copy(tbl_hbm.at[idx[5]], rt1_v, gsem_t1).wait()
        pltpu.async_copy(rx0_v, aggr_sh.at[idx[2]], ssem_x0, add=True)
        pltpu.async_copy(rx1_v, aggr_sh.at[idx[3]], ssem_x1, add=True)
        pltpu.async_copy(rt0_v, aggr_sh.at[idx[2]], ssem_t0, add=True)
        pltpu.async_copy(rt1_v, aggr_sh.at[idx[3]], ssem_t1, add=True)
        @pl.when(g + 1 < CPT)
        def _():
          stage_idx(g + 1, idx2)
        pltpu.make_async_copy(rx0_v, aggr_sh.at[idx[2]], ssem_x0).wait()
        pltpu.make_async_copy(rx1_v, aggr_sh.at[idx[3]], ssem_x1).wait()
        pltpu.make_async_copy(rt0_v, aggr_sh.at[idx[2]], ssem_t0).wait()
        pltpu.make_async_copy(rt1_v, aggr_sh.at[idx[3]], ssem_t1).wait()
        @pl.when(g + 1 < CPT)
        def _():
          gathers(idx2)
      return carry
    lax.fori_loop(0, CPT // 2, pair, 0)

    plsc.subcore_barrier()

    pltpu.sync_copy(aggr_sh.at[pl.ds(s * rpt, rpt)],
                    aggr_out.at[c, pl.ds(s * rpt, rpt)])

  return k(x, srcp, dstp, combop, tbl)


def _mlp_body(p0, p1, x_ref, tbl, w1, b1, w2, b2, out_ref):
  self_row = tbl[12:13, :]
  aggr = p0[...] + p1[...] + x_ref[...] + self_row
  h = jnp.dot(aggr, w1[...], preferred_element_type=jnp.float32) + b1[...]
  h = jnp.maximum(h, 0.0)
  out_ref[...] = jnp.dot(h, w2[...], preferred_element_type=jnp.float32) + b2[...]


def _tc_mlp(p0, p1, x, tbl, w1, b1, w2, b2):
  n, d = x.shape
  r = 1000
  blk = lambda rr, cc: pl.BlockSpec((rr, cc), lambda i: (i, 0))
  full = lambda rr, cc: pl.BlockSpec((rr, cc), lambda i: (0, 0))
  return pl.pallas_call(
      _mlp_body,
      grid=(n // r,),
      in_specs=[
          blk(r, d), blk(r, d), blk(r, d),
          full(TROWS, d), full(d, w1.shape[1]), full(1, b1.shape[1]),
          full(w2.shape[0], d), full(1, d),
      ],
      out_specs=blk(r, d),
      out_shape=jax.ShapeDtypeStruct((n, d), jnp.float32),
  )(p0, p1, x, tbl, w1, b1, w2, b2)


@jax.jit
def kernel(x, edge_index, edge_attr, ee1, ee2, W1, b1, W2, b2):
  n, d = x.shape
  e = edge_index.shape[1]
  n_pad = 10240
  pad = EPAD - e

  src = jnp.pad(edge_index[0], (0, pad)).reshape(NW * CPT * 2, H)
  dst = jnp.pad(edge_index[1], (0, pad), constant_values=n).reshape(NW * CPT * 2, H)
  ar = jnp.arange(EPAD, dtype=jnp.int32)
  eidx = (ar + (ar // EPT) * 16) % 512
  combo = jnp.pad(edge_attr[:, 0] * 3 + edge_attr[:, 1], (0, pad))
  combo = (combo * 512 + eidx).reshape(NW * CPT * 2, H)

  tbl = _tc_table(ee1, ee2)
  tbl_rep = jnp.repeat(tbl, 512, axis=0)
  (aggr_p,) = _sc_scatter(x, src, dst, combo, tbl_rep, n_pad)

  return _tc_mlp(aggr_p[0, :n], aggr_p[1, :n], x, tbl,
                 W1, b1.reshape(1, -1), W2, b2.reshape(1, -1))

# --- scband reference (transcript-rebuilt; emitter-appended) ---
"""Pipeline reference for scband-gnn-16338055594320 (READ-ONLY COPY).

The authoritative reference and input builder live on the scoring server;
editing this copy changes nothing except your own understanding.
"""

import jax, jax.numpy as jnp
import numpy as np

N = 10000
E = 320000
D = 128
NUM_BOND_TYPE = 6
NUM_BOND_DIRECTION = 3


def setup_inputs(seed: int = 0) -> dict:
    key = jax.random.key(seed)
    ks = jax.random.split(key, 8)
    x = jax.random.normal(ks[0], (N, D), dtype=jnp.float32)
    edge_index = jax.random.randint(ks[1], (2, E), 0, N, dtype=jnp.int32)
    edge_attr = jax.random.randint(ks[2], (E, 2), 0, 3, dtype=jnp.int32)
    ee1 = jax.random.normal(ks[3], (NUM_BOND_TYPE, D), dtype=jnp.float32) * 0.1
    ee2 = jax.random.normal(ks[4], (NUM_BOND_DIRECTION, D), dtype=jnp.float32) * 0.1
    W1 = jax.random.normal(ks[5], (D, 2 * D), dtype=jnp.float32) * 0.05
    b1 = jnp.zeros((2 * D,), dtype=jnp.float32)
    W2 = jax.random.normal(ks[6], (2 * D, D), dtype=jnp.float32) * 0.05
    b2 = jnp.zeros((D,), dtype=jnp.float32)
    return {"x": x, "edge_index": edge_index, "edge_attr": edge_attr,
            "ee1": ee1, "ee2": ee2, "W1": W1, "b1": b1, "W2": W2, "b2": b2}


def reference(x, edge_index, edge_attr, ee1, ee2, W1, b1, W2, b2):
    n = x.shape[0]
    # add self loops
    loop = jnp.arange(n, dtype=edge_index.dtype)
    ei = jnp.concatenate([edge_index, jnp.stack([loop, loop], axis=0)], axis=1)
    self_loop_attr = jnp.zeros((n, 2), dtype=edge_attr.dtype).at[:, 0].set(4)
    ea = jnp.concatenate([edge_attr, self_loop_attr], axis=0)
    # edge embeddings: emb1(type) + emb2(direction)
    edge_emb = jnp.take(ee1, ea[:, 0], axis=0) + jnp.take(ee2, ea[:, 1], axis=0)
    # message: x_j + edge_attr  (source_to_target flow: x_j = x[src], aggregate at dst)
    msg = jnp.take(x, ei[0], axis=0) + edge_emb
    aggr = jax.ops.segment_sum(msg, ei[1], num_segments=n)
    # update: MLP(Linear -> ReLU -> Linear)
    h = aggr @ W1 + b1
    h = jax.nn.relu(h)
    out = h @ W2 + b2
    return out

if __name__ == "__main__":
    import jax
    _d = setup_inputs()
    print(jax.jit(kernel)(*tuple(_d.values())))

</pallas_src>

<mosaic_0001>
#map = affine_map<(d0, d1) -> (0, 0)>
#map1 = affine_map<(d0, d1) -> (0, 0, 0)>
module attributes {stable_mosaic.version = 14 : i64} {
  func.func @k(%arg0: i32, %arg1: i32, %arg2: memref<10000x128xf32, #tpu.memory_space<hbm>>, %arg3: memref<5120x64xi32, #tpu.memory_space<hbm>>, %arg4: memref<5120x64xi32, #tpu.memory_space<hbm>>, %arg5: memref<5120x64xi32, #tpu.memory_space<hbm>>, %arg6: memref<16384x128xf32, #tpu.memory_space<hbm>>, %arg7: memref<2x10240x128xf32, #tpu.memory_space<hbm>>, %arg8: memref<64xi32, #tpu.memory_space<vmem>>, %arg9: memref<64xi32, #tpu.memory_space<vmem>>, %arg10: memref<64xi32, #tpu.memory_space<vmem>>, %arg11: memref<64xi32, #tpu.memory_space<vmem>>, %arg12: memref<64xi32, #tpu.memory_space<vmem>>, %arg13: memref<64xi32, #tpu.memory_space<vmem>>, %arg14: memref<64xi32, #tpu.memory_space<vmem>>, %arg15: memref<64xi32, #tpu.memory_space<vmem>>, %arg16: memref<64xi32, #tpu.memory_space<vmem>>, %arg17: memref<64xi32, #tpu.memory_space<vmem>>, %arg18: memref<64xi32, #tpu.memory_space<vmem>>, %arg19: memref<64xi32, #tpu.memory_space<vmem>>, %arg20: memref<64x128xf32, #tpu.memory_space<vmem>>, %arg21: memref<64x128xf32, #tpu.memory_space<vmem>>, %arg22: memref<64x128xf32, #tpu.memory_space<vmem>>, %arg23: memref<64x128xf32, #tpu.memory_space<vmem>>, %arg24: memref<10240x128xf32, #tpu.memory_space<vmem_shared>>, %arg25: memref<!tpu.dma_semaphore, #tpu.memory_space<semaphore_mem>>, %arg26: memref<!tpu.dma_semaphore, #tpu.memory_space<semaphore_mem>>, %arg27: memref<!tpu.dma_semaphore, #tpu.memory_space<semaphore_mem>>, %arg28: memref<!tpu.dma_semaphore, #tpu.memory_space<semaphore_mem>>, %arg29: memref<!tpu.dma_semaphore, #tpu.memory_space<semaphore_mem>>, %arg30: memref<!tpu.dma_semaphore, #tpu.memory_space<semaphore_mem>>, %arg31: memref<!tpu.dma_semaphore, #tpu.memory_space<semaphore_mem>>, %arg32: memref<!tpu.dma_semaphore, #tpu.memory_space<semaphore_mem>>) attributes {dimension_semantics = [#tpu.dimension_semantics<core_parallel>, #tpu.dimension_semantics<subcore_parallel>], iteration_bounds = array<i64: 2, 16>, scalar_prefetch = 0 : i64, scratch_operands = 25 : i64, tpu.core_type = #tpu.core_type<sc_vector_subcore>, window_params = [{transform_indices = #map}, {transform_indices = #map}, {transform_indices = #map}, {transform_indices = #map}, {transform_indices = #map}, {transform_indices = #map1}]} {
    %mul3A = arith.constant 16 : i32
    %mul3A_0 = arith.muli %arg0, %mul3A : i32
    %add3A = arith.addi %mul3A_0, %arg1 : i32
    %scan3A = arith.constant 0 : i32
    %scan3A_1 = arith.constant 0 : i32
    %scan3A_2 = arith.constant 64 : i32
    %scan3A_3 = arith.addi %scan3A_1, %scan3A_2 : i32
    %scan3A_4 = arith.constant 1 : i32
    scf.for %scan3A_46 = %scan3A_1 to %scan3A_3 step %scan3A_4  : i32 {
      %scan3A_47 = arith.constant 0 : i32
      %scan3A_48 = arith.constant 8 : i32
      %scan3A_49 = arith.addi %scan3A_47, %scan3A_48 : i32
      %scan3A_50 = arith.constant 1 : i32
      scf.for %scan3A_52 = %scan3A_47 to %scan3A_49 step %scan3A_50  : i32 {
        %broadcast_in_dim3A = arith.constant 0.000000e+00 : f32
        %broadcast_in_dim3A_53 = vector.broadcast %broadcast_in_dim3A : f32 to vector<16xf32>
        %mul3A_54 = arith.constant 16 : i32
        %mul3A_55 = arith.muli %scan3A_52, %mul3A_54 : i32
        %swap3A = arith.index_cast %scan3A_46 : i32 to index
        %swap3A_56 = arith.index_cast %mul3A_55 : i32 to index
        %swap3A_57 = tpu.vector_load %arg22[%swap3A, %swap3A_56] {strides = array<i32>} : memref<64x128xf32, #tpu.memory_space<vmem>>, vector<1x16xf32>,
        %swap3A_58 = vector.shape_cast %swap3A_57 : vector<1x16xf32> to vector<16xf32>
        %swap3A_59 = vector.shape_cast %broadcast_in_dim3A_53 : vector<16xf32> to vector<1x16xf32>
        tpu.vector_store %arg22[%swap3A, %swap3A_56], %swap3A_59 {strides = array<i32>} : memref<64x128xf32, #tpu.memory_space<vmem>>, vector<1x16xf32>,
      }
      %scan3A_51 = arith.constant 8 : i32
    }
    %scan3A_5 = arith.constant 64 : i32
    %scan3A_6 = arith.constant 0 : i32
    %scan3A_7 = arith.constant 0 : i32
    %scan3A_8 = arith.constant 10 : i32
    %scan3A_9 = arith.addi %scan3A_7, %scan3A_8 : i32
    %scan3A_10 = arith.constant 1 : i32
    scf.for %scan3A_46 = %scan3A_7 to %scan3A_9 step %scan3A_10  : i32 {
      %mul3A_47 = arith.constant 640 : i32
      %mul3A_48 = arith.muli %arg1, %mul3A_47 : i32
      %mul3A_49 = arith.constant 64 : i32
      %mul3A_50 = arith.muli %scan3A_46, %mul3A_49 : i32
      %add3A_51 = arith.addi %mul3A_48, %mul3A_50 : i32
      "tpu.region"() ({
        %run_scoped3A = tpu.sem_alloc : memref<!tpu.dma_semaphore, #tpu.memory_space<semaphore_mem>>
        %dma_start3A_52 = arith.constant 0 : i32
        %dma_start3A_53 = tpu.memref_slice %arg24[%add3A_51, %dma_start3A_52] : memref<10240x128xf32, #tpu.memory_space<vmem_shared>> -> memref<64x128xf32, #tpu.memory_space<vmem_shared>>
        %dma_start3A_54 = arith.constant 0 : i32
        %dma_start3A_55 = tpu.memref_slice %arg24[%add3A_51, %dma_start3A_54] : memref<10240x128xf32, #tpu.memory_space<vmem_shared>> -> memref<64x128xf32, #tpu.memory_space<vmem_shared>>
        tpu.enqueue_dma source(%arg22 : memref<64x128xf32, #tpu.memory_space<vmem>>) target(%dma_start3A_55 : memref<64x128xf32, #tpu.memory_space<vmem_shared>>) target_semaphore(%run_scoped3A : memref<!tpu.dma_semaphore, #tpu.memory_space<semaphore_mem>>)
        %dma_wait3A = arith.constant 0 : i32
        %dma_wait3A_56 = tpu.memref_slice %arg24[%add3A_51, %dma_wait3A] : memref<10240x128xf32, #tpu.memory_space<vmem_shared>> -> memref<64x128xf32, #tpu.memory_space<vmem_shared>>
        %dma_wait3A_57 = arith.constant 0 : i32
        %dma_wait3A_58 = tpu.memref_slice %arg24[%add3A_51, %dma_wait3A_57] : memref<10240x128xf32, #tpu.memory_space<vmem_shared>> -> memref<64x128xf32, #tpu.memory_space<vmem_shared>>
        tpu.wait_dma2 semaphore(%run_scoped3A : memref<!tpu.dma_semaphore, #tpu.memory_space<semaphore_mem>>) src(%arg22 : memref<64x128xf32, #tpu.memory_space<vmem>>) dst(%dma_wait3A_58 : memref<64x128xf32, #tpu.memory_space<vmem_shared>>)
        tpu.yield
      }) : () -> ()
    }
    %scan3A_11 = arith.constant 10 : i32
    %barrier3A = arith.constant 0 : index
    tpu.barrier barrier_id(%barrier3A)
    %mul3A_12 = arith.constant 80 : i32
    %mul3A_13 = arith.muli %add3A, %mul3A_12 : i32
    %add3A_14 = arith.constant 0 : i32
    %add3A_15 = arith.addi %mul3A_13, %add3A_14 : i32
    %mul3A_16 = arith.constant 2 : i32
    %mul3A_17 = arith.muli %mul3A_16, %add3A_15 : i32
    "tpu.region"() ({
      %run_scoped3A = tpu.sem_alloc : memref<!tpu.dma_semaphore, #tpu.memory_space<semaphore_mem>>
      %dma_start3A_46 = arith.constant 0 : i32
      %dma_start3A_47 = tpu.memref_slice %arg3[%mul3A_17, %dma_start3A_46] : memref<5120x64xi32, #tpu.memory_space<hbm>> -> memref<1x64xi32, #tpu.memory_space<hbm>>
      %dma_start3A_48 = tpu.memref_squeeze %dma_start3A_47 : memref<1x64xi32, #tpu.memory_space<hbm>> -> memref<64xi32, #tpu.memory_space<hbm>>
      %dma_start3A_49 = arith.constant 0 : i32
      %dma_start3A_50 = tpu.memref_slice %arg3[%mul3A_17, %dma_start3A_49] : memref<5120x64xi32, #tpu.memory_space<hbm>> -> memref<1x64xi32, #tpu.memory_space<hbm>>
      %dma_start3A_51 = tpu.memref_squeeze %dma_start3A_50 : memref<1x64xi32, #tpu.memory_space<hbm>> -> memref<64xi32, #tpu.memory_space<hbm>>
      tpu.enqueue_dma source(%dma_start3A_51 : memref<64xi32, #tpu.memory_space<hbm>>) target(%arg8 : memref<64xi32, #tpu.memory_space<vmem>>) target_semaphore(%run_scoped3A : memref<!tpu.dma_semaphore, #tpu.memory_space<semaphore_mem>>)
      %dma_wait3A = arith.constant 0 : i32
      %dma_wait3A_52 = tpu.memref_slice %arg3[%mul3A_17, %dma_wait3A] : memref<5120x64xi32, #tpu.memory_space<hbm>> -> memref<1x64xi32, #tpu.memory_space<hbm>>
      %dma_wait3A_53 = tpu.memref_squeeze %dma_wait3A_52 : memref<1x64xi32, #tpu.memory_space<hbm>> -> memref<64xi32, #tpu.memory_space<hbm>>
      %dma_wait3A_54 = arith.constant 0 : i32
      %dma_wait3A_55 = tpu.memref_slice %arg3[%mul3A_17, %dma_wait3A_54] : memref<5120x64xi32, #tpu.memory_space<hbm>> -> memref<1x64xi32, #tpu.memory_space<hbm>>
      %dma_wait3A_56 = tpu.memref_squeeze %dma_wait3A_55 : memref<1x64xi32, #tpu.memory_space<hbm>> -> memref<64xi32, #tpu.memory_space<hbm>>
      tpu.wait_dma2 semaphore(%run_scoped3A : memref<!tpu.dma_semaphore, #tpu.memory_space<semaphore_mem>>) src(%dma_wait3A_56 : memref<64xi32, #tpu.memory_space<hbm>>) dst(%arg8 : memref<64xi32, #tpu.memory_space<vmem>>)
      tpu.yield
    }) : () -> ()
    %add3A_18 = arith.constant 1 : i32
    %add3A_19 = arith.addi %mul3A_17, %add3A_18 : i32
    "tpu.region"() ({
      %run_scoped3A = tpu.sem_alloc : memref<!tpu.dma_semaphore, #tpu.memory_space<semaphore_mem>>
      %dma_start3A_46 = arith.constant 0 : i32
      %dma_start3A_47 = tpu.memref_slice %arg3[%add3A_19, %dma_start3A_46] : memref<5120x64xi32, #tpu.memory_space<hbm>> -> memref<1x64xi32, #tpu.memory_space<hbm>>
      %dma_start3A_48 = tpu.memref_squeeze %dma_start3A_47 : memref<1x64xi32, #tpu.memory_space<hbm>> -> memref<64xi32, #tpu.memory_space<hbm>>
      %dma_start3A_49 = arith.constant 0 : i32
      %dma_start3A_50 = tpu.memref_slice %arg3[%add3A_19, %dma_start3A_49] : memref<5120x64xi32, #tpu.memory_space<hbm>> -> memref<1x64xi32, #tpu.memory_space<hbm>>
      %dma_start3A_51 = tpu.memref_squeeze %dma_start3A_50 : memref<1x64xi32, #tpu.memory_space<hbm>> -> memref<64xi32, #tpu.memory_space<hbm>>
      tpu.enqueue_dma source(%dma_start3A_51 : memref<64xi32, #tpu.memory_space<hbm>>) target(%arg9 : memref<64xi32, #tpu.memory_space<vmem>>) target_semaphore(%run_scoped3A : memref<!tpu.dma_semaphore, #tpu.memory_space<semaphore_mem>>)
      %dma_wait3A = arith.constant 0 : i32
      %dma_wait3A_52 = tpu.memref_slice %arg3[%add3A_19, %dma_wait3A] : memref<5120x64xi32, #tpu.memory_space<hbm>> -> memref<1x64xi32, #tpu.memory_space<hbm>>
      %dma_wait3A_53 = tpu.memref_squeeze %dma_wait3A_52 : memref<1x64xi32, #tpu.memory_space<hbm>> -> memref<64xi32, #tpu.memory_space<hbm>>
      %dma_wait3A_54 = arith.constant 0 : i32
      %dma_wait3A_55 = tpu.memref_slice %arg3[%add3A_19, %dma_wait3A_54] : memref<5120x64xi32, #tpu.memory_space<hbm>> -> memref<1x64xi32, #tpu.memory_space<hbm>>
      %dma_wait3A_56 = tpu.memref_squeeze %dma_wait3A_55 : memref<1x64xi32, #tpu.memory_space<hbm>> -> memref<64xi32, #tpu.memory_space<hbm>>
      tpu.wait_dma2 semaphore(%run_scoped3A : memref<!tpu.dma_semaphore, #tpu.memory_space<semaphore_mem>>) src(%dma_wait3A_56 : memref<64xi32, #tpu.memory_space<hbm>>) dst(%arg9 : memref<64xi32, #tpu.memory_space<vmem>>)
      tpu.yield
    }) : () -> ()
    "tpu.region"() ({
      %run_scoped3A = tpu.sem_alloc : memref<!tpu.dma_semaphore, #tpu.memory_space<semaphore_mem>>
      %dma_start3A_46 = arith.constant 0 : i32
      %dma_start3A_47 = tpu.memref_slice %arg4[%mul3A_17, %dma_start3A_46] : memref<5120x64xi32, #tpu.memory_space<hbm>> -> memref<1x64xi32, #tpu.memory_space<hbm>>
      %dma_start3A_48 = tpu.memref_squeeze %dma_start3A_47 : memref<1x64xi32, #tpu.memory_space<hbm>> -> memref<64xi32, #tpu.memory_space<hbm>>
      %dma_start3A_49 = arith.constant 0 : i32
      %dma_start3A_50 = tpu.memref_slice %arg4[%mul3A_17, %dma_start3A_49] : memref<5120x64xi32, #tpu.memory_space<hbm>> -> memref<1x64xi32, #tpu.memory_space<hbm>>
      %dma_start3A_51 = tpu.memref_squeeze %dma_start3A_50 : memref<1x64xi32, #tpu.memory_space<hbm>> -> memref<64xi32, #tpu.memory_space<hbm>>
      tpu.enqueue_dma source(%dma_start3A_51 : memref<64xi32, #tpu.memory_space<hbm>>) target(%arg12 : memref<64xi32, #tpu.memory_space<vmem>>) target_semaphore(%run_scoped3A : memref<!tpu.dma_semaphore, #tpu.memory_space<semaphore_mem>>)
      %dma_wait3A = arith.constant 0 : i32
      %dma_wait3A_52 = tpu.memref_slice %arg4[%mul3A_17, %dma_wait3A] : memref<5120x64xi32, #tpu.memory_space<hbm>> -> memref<1x64xi32, #tpu.memory_space<hbm>>
      %dma_wait3A_53 = tpu.memref_squeeze %dma_wait3A_52 : memref<1x64xi32, #tpu.memory_space<hbm>> -> memref<64xi32, #tpu.memory_space<hbm>>
      %dma_wait3A_54 = arith.constant 0 : i32
      %dma_wait3A_55 = tpu.memref_slice %arg4[%mul3A_17, %dma_wait3A_54] : memref<5120x64xi32, #tpu.memory_space<hbm>> -> memref<1x64xi32, #tpu.memory_space<hbm>>
      %dma_wait3A_56 = tpu.memref_squeeze %dma_wait3A_55 : memref<1x64xi32, #tpu.memory_space<hbm>> -> memref<64xi32, #tpu.memory_space<hbm>>
      tpu.wait_dma2 semaphore(%run_scoped3A : memref<!tpu.dma_semaphore, #tpu.memory_space<semaphore_mem>>) src(%dma_wait3A_56 : memref<64xi32, #tpu.memory_space<hbm>>) dst(%arg12 : memref<64xi32, #tpu.memory_space<vmem>>)
      tpu.yield
    }) : () -> ()
    %add3A_20 = arith.constant 1 : i32
    %add3A_21 = arith.addi %mul3A_17, %add3A_20 : i32
    "tpu.region"() ({
      %run_scoped3A = tpu.sem_alloc : memref<!tpu.dma_semaphore, #tpu.memory_space<semaphore_mem>>
      %dma_start3A_46 = arith.constant 0 : i32
      %dma_start3A_47 = tpu.memref_slice %arg4[%add3A_21, %dma_start3A_46] : memref<5120x64xi32, #tpu.memory_space<hbm>> -> memref<1x64xi32, #tpu.memory_space<hbm>>
      %dma_start3A_48 = tpu.memref_squeeze %dma_start3A_47 : memref<1x64xi32, #tpu.memory_space<hbm>> -> memref<64xi32, #tpu.memory_space<hbm>>
      %dma_start3A_49 = arith.constant 0 : i32
      %dma_start3A_50 = tpu.memref_slice %arg4[%add3A_21, %dma_start3A_49] : memref<5120x64xi32, #tpu.memory_space<hbm>> -> memref<1x64xi32, #tpu.memory_space<hbm>>
      %dma_start3A_51 = tpu.memref_squeeze %dma_start3A_50 : memref<1x64xi32, #tpu.memory_space<hbm>> -> memref<64xi32, #tpu.memory_space<hbm>>
      tpu.enqueue_dma source(%dma_start3A_51 : memref<64xi32, #tpu.memory_space<hbm>>) target(%arg13 : memref<64xi32, #tpu.memory_space<vmem>>) target_semaphore(%run_scoped3A : memref<!tpu.dma_semaphore, #tpu.memory_space<semaphore_mem>>)
      %dma_wait3A = arith.constant 0 : i32
      %dma_wait3A_52 = tpu.memref_slice %arg4[%add3A_21, %dma_wait3A] : memref<5120x64xi32, #tpu.memory_space<hbm>> -> memref<1x64xi32, #tpu.memory_space<hbm>>
      %dma_wait3A_53 = tpu.memref_squeeze %dma_wait3A_52 : memref<1x64xi32, #tpu.memory_space<hbm>> -> memref<64xi32, #tpu.memory_space<hbm>>
      %dma_wait3A_54 = arith.constant 0 : i32
      %dma_wait3A_55 = tpu.memref_slice %arg4[%add3A_21, %dma_wait3A_54] : memref<5120x64xi32, #tpu.memory_space<hbm>> -> memref<1x64xi32, #tpu.memory_space<hbm>>
      %dma_wait3A_56 = tpu.memref_squeeze %dma_wait3A_55 : memref<1x64xi32, #tpu.memory_space<hbm>> -> memref<64xi32, #tpu.memory_space<hbm>>
      tpu.wait_dma2 semaphore(%run_scoped3A : memref<!tpu.dma_semaphore, #tpu.memory_space<semaphore_mem>>) src(%dma_wait3A_56 : memref<64xi32, #tpu.memory_space<hbm>>) dst(%arg13 : memref<64xi32, #tpu.memory_space<vmem>>)
      tpu.yield
    }) : () -> ()
    "tpu.region"() ({
      %run_scoped3A = tpu.sem_alloc : memref<!tpu.dma_semaphore, #tpu.memory_space<semaphore_mem>>
      %dma_start3A_46 = arith.constant 0 : i32
      %dma_start3A_47 = tpu.memref_slice %arg5[%mul3A_17, %dma_start3A_46] : memref<5120x64xi32, #tpu.memory_space<hbm>> -> memref<1x64xi32, #tpu.memory_space<hbm>>
      %dma_start3A_48 = tpu.memref_squeeze %dma_start3A_47 : memref<1x64xi32, #tpu.memory_space<hbm>> -> memref<64xi32, #tpu.memory_space<hbm>>
      %dma_start3A_49 = arith.constant 0 : i32
      %dma_start3A_50 = tpu.memref_slice %arg5[%mul3A_17, %dma_start3A_49] : memref<5120x64xi32, #tpu.memory_space<hbm>> -> memref<1x64xi32, #tpu.memory_space<hbm>>
      %dma_start3A_51 = tpu.memref_squeeze %dma_start3A_50 : memref<1x64xi32, #tpu.memory_space<hbm>> -> memref<64xi32, #tpu.memory_space<hbm>>
      tpu.enqueue_dma source(%dma_start3A_51 : memref<64xi32, #tpu.memory_space<hbm>>) target(%arg16 : memref<64xi32, #tpu.memory_space<vmem>>) target_semaphore(%run_scoped3A : memref<!tpu.dma_semaphore, #tpu.memory_space<semaphore_mem>>)
      %dma_wait3A = arith.constant 0 : i32
      %dma_wait3A_52 = tpu.memref_slice %arg5[%mul3A_17, %dma_wait3A] : memref<5120x64xi32, #tpu.memory_space<hbm>> -> memref<1x64xi32, #tpu.memory_space<hbm>>
      %dma_wait3A_53 = tpu.memref_squeeze %dma_wait3A_52 : memref<1x64xi32, #tpu.memory_space<hbm>> -> memref<64xi32, #tpu.memory_space<hbm>>
      %dma_wait3A_54 = arith.constant 0 : i32
      %dma_wait3A_55 = tpu.memref_slice %arg5[%mul3A_17, %dma_wait3A_54] : memref<5120x64xi32, #tpu.memory_space<hbm>> -> memref<1x64xi32, #tpu.memory_space<hbm>>
      %dma_wait3A_56 = tpu.memref_squeeze %dma_wait3A_55 : memref<1x64xi32, #tpu.memory_space<hbm>> -> memref<64xi32, #tpu.memory_space<hbm>>
      tpu.wait_dma2 semaphore(%run_scoped3A : memref<!tpu.dma_semaphore, #tpu.memory_space<semaphore_mem>>) src(%dma_wait3A_56 : memref<64xi32, #tpu.memory_space<hbm>>) dst(%arg16 : memref<64xi32, #tpu.memory_space<vmem>>)
      tpu.yield
    }) : () -> ()
    %add3A_22 = arith.constant 1 : i32
    %add3A_23 = arith.addi %mul3A_17, %add3A_22 : i32
    "tpu.region"() ({
      %run_scoped3A = tpu.sem_alloc : memref<!tpu.dma_semaphore, #tpu.memory_space<semaphore_mem>>
      %dma_start3A_46 = arith.constant 0 : i32
      %dma_start3A_47 = tpu.memref_slice %arg5[%add3A_23, %dma_start3A_46] : memref<5120x64xi32, #tpu.memory_space<hbm>> -> memref<1x64xi32, #tpu.memory_space<hbm>>
      %dma_start3A_48 = tpu.memref_squeeze %dma_start3A_47 : memref<1x64xi32, #tpu.memory_space<hbm>> -> memref<64xi32, #tpu.memory_space<hbm>>
      %dma_start3A_49 = arith.constant 0 : i32
      %dma_start3A_50 = tpu.memref_slice %arg5[%add3A_23, %dma_start3A_49] : memref<5120x64xi32, #tpu.memory_space<hbm>> -> memref<1x64xi32, #tpu.memory_space<hbm>>
      %dma_start3A_51 = tpu.memref_squeeze %dma_start3A_50 : memref<1x64xi32, #tpu.memory_space<hbm>> -> memref<64xi32, #tpu.memory_space<hbm>>
      tpu.enqueue_dma source(%dma_start3A_51 : memref<64xi32, #tpu.memory_space<hbm>>) target(%arg17 : memref<64xi32, #tpu.memory_space<vmem>>) target_semaphore(%run_scoped3A : memref<!tpu.dma_semaphore, #tpu.memory_space<semaphore_mem>>)
      %dma_wait3A = arith.constant 0 : i32
      %dma_wait3A_52 = tpu.memref_slice %arg5[%add3A_23, %dma_wait3A] : memref<5120x64xi32, #tpu.memory_space<hbm>> -> memref<1x64xi32, #tpu.memory_space<hbm>>
      %dma_wait3A_53 = tpu.memref_squeeze %dma_wait3A_52 : memref<1x64xi32, #tpu.memory_space<hbm>> -> memref<64xi32, #tpu.memory_space<hbm>>
      %dma_wait3A_54 = arith.constant 0 : i32
      %dma_wait3A_55 = tpu.memref_slice %arg5[%add3A_23, %dma_wait3A_54] : memref<5120x64xi32, #tpu.memory_space<hbm>> -> memref<1x64xi32, #tpu.memory_space<hbm>>
      %dma_wait3A_56 = tpu.memref_squeeze %dma_wait3A_55 : memref<1x64xi32, #tpu.memory_space<hbm>> -> memref<64xi32, #tpu.memory_space<hbm>>
      tpu.wait_dma2 semaphore(%run_scoped3A : memref<!tpu.dma_semaphore, #tpu.memory_space<semaphore_mem>>) src(%dma_wait3A_56 : memref<64xi32, #tpu.memory_space<hbm>>) dst(%arg17 : memref<64xi32, #tpu.memory_space<vmem>>)
      tpu.yield
    }) : () -> ()
    %dma_start3A = arith.constant 0 : i32
    %dma_start3A_24 = arith.constant 0 : i32
    %dma_start3A_25 = tpu.memref_slice %arg2[%dma_start3A, %dma_start3A_24] : memref<10000x128xf32, #tpu.memory_space<hbm>> -> memref<10000x128xf32, #tpu.memory_space<hbm>>
    tpu.enqueue_indirect_dma source(%dma_start3A_25 : memref<10000x128xf32, #tpu.memory_space<hbm>>) target(%arg20 : memref<64x128xf32, #tpu.memory_space<vmem>>) offsets(%arg8 : memref<64xi32, #tpu.memory_space<vmem>>) semaphore(%arg25 : memref<!tpu.dma_semaphore, #tpu.memory_space<semaphore_mem>>)
    %dma_start3A_26 = arith.constant 0 : i32
    %dma_start3A_27 = arith.constant 0 : i32
    %dma_start3A_28 = tpu.memref_slice %arg2[%dma_start3A_26, %dma_start3A_27] : memref<10000x128xf32, #tpu.memory_space<hbm>> -> memref<10000x128xf32, #tpu.memory_space<hbm>>
    tpu.enqueue_indirect_dma source(%dma_start3A_28 : memref<10000x128xf32, #tpu.memory_space<hbm>>) target(%arg21 : memref<64x128xf32, #tpu.memory_space<vmem>>) offsets(%arg9 : memref<64xi32, #tpu.memory_space<vmem>>) semaphore(%arg26 : memref<!tpu.dma_semaphore, #tpu.memory_space<semaphore_mem>>)
    %dma_start3A_29 = arith.constant 0 : i32
    %dma_start3A_30 = arith.constant 0 : i32
    %dma_start3A_31 = tpu.memref_slice %arg6[%dma_start3A_29, %dma_start3A_30] : memref<16384x128xf32, #tpu.memory_space<hbm>> -> memref<16384x128xf32, #tpu.memory_space<hbm>>
    tpu.enqueue_indirect_dma source(%dma_start3A_31 : memref<16384x128xf32, #tpu.memory_space<hbm>>) target(%arg22 : memref<64x128xf32, #tpu.memory_space<vmem>>) offsets(%arg16 : memref<64xi32, #tpu.memory_space<vmem>>) semaphore(%arg27 : memref<!tpu.dma_semaphore, #tpu.memory_space<semaphore_mem>>)
    %dma_start3A_32 = arith.constant 0 : i32
    %dma_start3A_33 = arith.constant 0 : i32
    %dma_start3A_34 = tpu.memref_slice %arg6[%dma_start3A_32, %dma_start3A_33] : memref<16384x128xf32, #tpu.memory_space<hbm>> -> memref<16384x128xf32, #tpu.memory_space<hbm>>
    tpu.enqueue_indirect_dma source(%dma_start3A_34 : memref<16384x128xf32, #tpu.memory_space<hbm>>) target(%arg23 : memref<64x128xf32, #tpu.memory_space<vmem>>) offsets(%arg17 : memref<64xi32, #tpu.memory_space<vmem>>) semaphore(%arg28 : memref<!tpu.dma_semaphore, #tpu.memory_space<semaphore_mem>>)
    %scan3A_35 = arith.constant 0 : i32
    %scan3A_36 = arith.constant 0 : i32
    %scan3A_37 = arith.constant 40 : i32
    %scan3A_38 = arith.addi %scan3A_36, %scan3A_37 : i32
    %scan3A_39 = arith.constant 1 : i32
    scf.for %scan3A_46 = %scan3A_36 to %scan3A_38 step %scan3A_39  : i32 {
      %mul3A_47 = arith.constant 2 : i32
      %mul3A_48 = arith.muli %mul3A_47, %scan3A_46 : i32
      %add3A_49 = arith.constant 0 : i32
      %add3A_50 = arith.addi %mul3A_48, %add3A_49 : i32
      %dma_wait3A = arith.constant 0 : i32
      %dma_wait3A_51 = arith.constant 0 : i32
      %dma_wait3A_52 = tpu.memref_slice %arg2[%dma_wait3A, %dma_wait3A_51] : memref<10000x128xf32, #tpu.memory_space<hbm>> -> memref<10000x128xf32, #tpu.memory_space<hbm>>
      tpu.wait_indirect_dma semaphore(%arg25 : memref<!tpu.dma_semaphore, #tpu.memory_space<semaphore_mem>>) src(%dma_wait3A_52 : memref<10000x128xf32, #tpu.memory_space<hbm>>) dst(%arg20 : memref<64x128xf32, #tpu.memory_space<vmem>>)
      %dma_wait3A_53 = arith.constant 0 : i32
      %dma_wait3A_54 = arith.constant 0 : i32
      %dma_wait3A_55 = tpu.memref_slice %arg2[%dma_wait3A_53, %dma_wait3A_54] : memref<10000x128xf32, #tpu.memory_space<hbm>> -> memref<10000x128xf32, #tpu.memory_space<hbm>>
      tpu.wait_indirect_dma semaphore(%arg26 : memref<!tpu.dma_semaphore, #tpu.memory_space<semaphore_mem>>) src(%dma_wait3A_55 : memref<10000x128xf32, #tpu.memory_space<hbm>>) dst(%arg21 : memref<64x128xf32, #tpu.memory_space<vmem>>)
      %dma_wait3A_56 = arith.constant 0 : i32
      %dma_wait3A_57 = arith.constant 0 : i32
      %dma_wait3A_58 = tpu.memref_slice %arg6[%dma_wait3A_56, %dma_wait3A_57] : memref<16384x128xf32, #tpu.memory_space<hbm>> -> memref<16384x128xf32, #tpu.memory_space<hbm>>
      tpu.wait_indirect_dma semaphore(%arg27 : memref<!tpu.dma_semaphore, #tpu.memory_space<semaphore_mem>>) src(%dma_wait3A_58 : memref<16384x128xf32, #tpu.memory_space<hbm>>) dst(%arg22 : memref<64x128xf32, #tpu.memory_space<vmem>>)
      %dma_wait3A_59 = arith.constant 0 : i32
      %dma_wait3A_60 = arith.constant 0 : i32
      %dma_wait3A_61 = tpu.memref_slice %arg6[%dma_wait3A_59, %dma_wait3A_60] : memref<16384x128xf32, #tpu.memory_space<hbm>> -> memref<16384x128xf32, #tpu.memory_space<hbm>>
      tpu.wait_indirect_dma semaphore(%arg28 : memref<!tpu.dma_semaphore, #tpu.memory_space<semaphore_mem>>) src(%dma_wait3A_61 : memref<16384x128xf32, #tpu.memory_space<hbm>>) dst(%arg23 : memref<64x128xf32, #tpu.memory_space<vmem>>)
      %dma_start3A_62 = arith.constant 0 : i32
      %dma_start3A_63 = arith.constant 0 : i32
      %dma_start3A_64 = tpu.memref_slice %arg24[%dma_start3A_62, %dma_start3A_63] : memref<10240x128xf32, #tpu.memory_space<vmem_shared>> -> memref<10240x128xf32, #tpu.memory_space<vmem_shared>>
      tpu.enqueue_indirect_dma source(%arg20 : memref<64x128xf32, #tpu.memory_space<vmem>>) target(%dma_start3A_64 : memref<10240x128xf32, #tpu.memory_space<vmem_shared>>) offsets(%arg12 : memref<64xi32, #tpu.memory_space<vmem>>) semaphore(%arg29 : memref<!tpu.dma_semaphore, #tpu.memory_space<semaphore_mem>>) {add = true}
      %dma_start3A_65 = arith.constant 0 : i32
      %dma_start3A_66 = arith.constant 0 : i32
      %dma_start3A_67 = tpu.memref_slice %arg24[%dma_start3A_65, %dma_start3A_66] : memref<10240x128xf32, #tpu.memory_space<vmem_shared>> -> memref<10240x128xf32, #tpu.memory_space<vmem_shared>>
      tpu.enqueue_indirect_dma source(%arg21 : memref<64x128xf32, #tpu.memory_space<vmem>>) target(%dma_start3A_67 : memref<10240x128xf32, #tpu.memory_space<vmem_shared>>) offsets(%arg13 : memref<64xi32, #tpu.memory_space<vmem>>) semaphore(%arg30 : memref<!tpu.dma_semaphore, #tpu.memory_space<semaphore_mem>>) {add = true}
      %dma_start3A_68 = arith.constant 0 : i32
      %dma_start3A_69 = arith.constant 0 : i32
      %dma_start3A_70 = tpu.memref_slice %arg24[%dma_start3A_68, %dma_start3A_69] : memref<10240x128xf32, #tpu.memory_space<vmem_shared>> -> memref<10240x128xf32, #tpu.memory_space<vmem_shared>>
      tpu.enqueue_indirect_dma source(%arg22 : memref<64x128xf32, #tpu.memory_space<vmem>>) target(%dma_start3A_70 : memref<10240x128xf32, #tpu.memory_space<vmem_shared>>) offsets(%arg12 : memref<64xi32, #tpu.memory_space<vmem>>) semaphore(%arg31 : memref<!tpu.dma_semaphore, #tpu.memory_space<semaphore_mem>>) {add = true}
      %dma_start3A_71 = arith.constant 0 : i32
      %dma_start3A_72 = arith.constant 0 : i32
      %dma_start3A_73 = tpu.memref_slice %arg24[%dma_start3A_71, %dma_start3A_72] : memref<10240x128xf32, #tpu.memory_space<vmem_shared>> -> memref<10240x128xf32, #tpu.memory_space<vmem_shared>>
      tpu.enqueue_indirect_dma source(%arg23 : memref<64x128xf32, #tpu.memory_space<vmem>>) target(%dma_start3A_73 : memref<10240x128xf32, #tpu.memory_space<vmem_shared>>) offsets(%arg13 : memref<64xi32, #tpu.memory_space<vmem>>) semaphore(%arg32 : memref<!tpu.dma_semaphore, #tpu.memory_space<semaphore_mem>>) {add = true}
      %add3A_74 = arith.constant 1 : i32
      %add3A_75 = arith.addi %add3A_50, %add3A_74 : i32
      %lt3A = arith.constant 80 : i32
      %lt3A_76 = arith.cmpi slt, %add3A_75, %lt3A : i32
      %convert_element_type3A = arith.extui %lt3A_76 : i1 to i32
      %cond3A = arith.constant 0 : i32
      %cond3A_77 = arith.cmpi ne, %convert_element_type3A, %cond3A : i32
      scf.if %cond3A_77 {
        %add3A_151 = arith.constant 1 : i32
        %add3A_152 = arith.addi %add3A_50, %add3A_151 : i32
        %mul3A_153 = arith.constant 80 : i32
        %mul3A_154 = arith.muli %add3A, %mul3A_153 : i32
        %add3A_155 = arith.addi %mul3A_154, %add3A_152 : i32
        %mul3A_156 = arith.constant 2 : i32
        %mul3A_157 = arith.muli %mul3A_156, %add3A_155 : i32
        "tpu.region"() ({
          %run_scoped3A = tpu.sem_alloc : memref<!tpu.dma_semaphore, #tpu.memory_space<semaphore_mem>>
          %dma_start3A_164 = arith.constant 0 : i32
          %dma_start3A_165 = tpu.memref_slice %arg3[%mul3A_157, %dma_start3A_164] : memref<5120x64xi32, #tpu.memory_space<hbm>> -> memref<1x64xi32, #tpu.memory_space<hbm>>
          %dma_start3A_166 = tpu.memref_squeeze %dma_start3A_165 : memref<1x64xi32, #tpu.memory_space<hbm>> -> memref<64xi32, #tpu.memory_space<hbm>>
          %dma_start3A_167 = arith.constant 0 : i32
          %dma_start3A_168 = tpu.memref_slice %arg3[%mul3A_157, %dma_start3A_167] : memref<5120x64xi32, #tpu.memory_space<hbm>> -> memref<1x64xi32, #tpu.memory_space<hbm>>
          %dma_start3A_169 = tpu.memref_squeeze %dma_start3A_168 : memref<1x64xi32, #tpu.memory_space<hbm>> -> memref<64xi32, #tpu.memory_space<hbm>>
          tpu.enqueue_dma source(%dma_start3A_169 : memref<64xi32, #tpu.memory_space<hbm>>) target(%arg10 : memref<64xi32, #tpu.memory_space<vmem>>) target_semaphore(%run_scoped3A : memref<!tpu.dma_semaphore, #tpu.memory_space<semaphore_mem>>)
          %dma_wait3A_170 = arith.constant 0 : i32
          %dma_wait3A_171 = tpu.memref_slice %arg3[%mul3A_157, %dma_wait3A_170] : memref<5120x64xi32, #tpu.memory_space<hbm>> -> memref<1x64xi32, #tpu.memory_space<hbm>>
          %dma_wait3A_172 = tpu.memref_squeeze %dma_wait3A_171 : memref<1x64xi32, #tpu.memory_space<hbm>> -> memref<64xi32, #tpu.memory_space<hbm>>
          %dma_wait3A_173 = arith.constant 0 : i32
          %dma_wait3A_174 = tpu.memref_slice %arg3[%mul3A_157, %dma_wait3A_173] : memref<5120x64xi32, #tpu.memory_space<hbm>> -> memref<1x64xi32, #tpu.memory_space<hbm>>
          %dma_wait3A_175 = tpu.memref_squeeze %dma_wait3A_174 : memref<1x64xi32, #tpu.memory_space<hbm>> -> memref<64xi32, #tpu.memory_space<hbm>>
          tpu.wait_dma2 semaphore(%run_scoped3A : memref<!tpu.dma_semaphore, #tpu.memory_space<semaphore_mem>>) src(%dma_wait3A_175 : memref<64xi32, #tpu.memory_space<hbm>>) dst(%arg10 : memref<64xi32, #tpu.memory_space<vmem>>)
          tpu.yield
        }) : () -> ()
        %add3A_158 = arith.constant 1 : i32
        %add3A_159 = arith.addi %mul3A_157, %add3A_158 : i32
        "tpu.region"() ({
          %run_scoped3A = tpu.sem_alloc : memref<!tpu.dma_semaphore, #tpu.memory_space<semaphore_mem>>
          %dma_start3A_164 = arith.constant 0 : i32
          %dma_start3A_165 = tpu.memref_slice %arg3[%add3A_159, %dma_start3A_164] : memref<5120x64xi32, #tpu.memory_space<hbm>> -> memref<1x64xi32, #tpu.memory_space<hbm>>
          %dma_start3A_166 = tpu.memref_squeeze %dma_start3A_165 : memref<1x64xi32, #tpu.memory_space<hbm>> -> memref<64xi32, #tpu.memory_space<hbm>>
          %dma_start3A_167 = arith.constant 0 : i32
          %dma_start3A_168 = tpu.memref_slice %arg3[%add3A_159, %dma_start3A_167] : memref<5120x64xi32, #tpu.memory_space<hbm>> -> memref<1x64xi32, #tpu.memory_space<hbm>>
          %dma_start3A_169 = tpu.memref_squeeze %dma_start3A_168 : memref<1x64xi32, #tpu.memory_space<hbm>> -> memref<64xi32, #tpu.memory_space<hbm>>
          tpu.enqueue_dma source(%dma_start3A_169 : memref<64xi32, #tpu.memory_space<hbm>>) target(%arg11 : memref<64xi32, #tpu.memory_space<vmem>>) target_semaphore(%run_scoped3A : memref<!tpu.dma_semaphore, #tpu.memory_space<semaphore_mem>>)
          %dma_wait3A_170 = arith.constant 0 : i32
          %dma_wait3A_171 = tpu.memref_slice %arg3[%add3A_159, %dma_wait3A_170] : memref<5120x64xi32, #tpu.memory_space<hbm>> -> memref<1x64xi32, #tpu.memory_space<hbm>>
          %dma_wait3A_172 = tpu.memref_squeeze %dma_wait3A_171 : memref<1x64xi32, #tpu.memory_space<hbm>> -> memref<64xi32, #tpu.memory_space<hbm>>
          %dma_wait3A_173 = arith.constant 0 : i32
          %dma_wait3A_174 = tpu.memref_slice %arg3[%add3A_159, %dma_wait3A_173] : memref<5120x64xi32, #tpu.memory_space<hbm>> -> memref<1x64xi32, #tpu.memory_space<hbm>>
          %dma_wait3A_175 = tpu.memref_squeeze %dma_wait3A_174 : memref<1x64xi32, #tpu.memory_space<hbm>> -> memref<64xi32, #tpu.memory_space<hbm>>
          tpu.wait_dma2 semaphore(%run_scoped3A : memref<!tpu.dma_semaphore, #tpu.memory_space<semaphore_mem>>) src(%dma_wait3A_175 : memref<64xi32, #tpu.memory_space<hbm>>) dst(%arg11 : memref<64xi32, #tpu.memory_space<vmem>>)
          tpu.yield
        }) : () -> ()
        "tpu.region"() ({
          %run_scoped3A = tpu.sem_alloc : memref<!tpu.dma_semaphore, #tpu.memory_space<semaphore_mem>>
          %dma_start3A_164 = arith.constant 0 : i32
          %dma_start3A_165 = tpu.memref_slice %arg4[%mul3A_157, %dma_start3A_164] : memref<5120x64xi32, #tpu.memory_space<hbm>> -> memref<1x64xi32, #tpu.memory_space<hbm>>
          %dma_start3A_166 = tpu.memref_squeeze %dma_start3A_165 : memref<1x64xi32, #tpu.memory_space<hbm>> -> memref<64xi32, #tpu.memory_space<hbm>>
          %dma_start3A_167 = arith.constant 0 : i32
          %dma_start3A_168 = tpu.memref_slice %arg4[%mul3A_157, %dma_start3A_167] : memref<5120x64xi32, #tpu.memory_space<hbm>> -> memref<1x64xi32, #tpu.memory_space<hbm>>
          %dma_start3A_169 = tpu.memref_squeeze %dma_start3A_168 : memref<1x64xi32, #tpu.memory_space<hbm>> -> memref<64xi32, #tpu.memory_space<hbm>>
          tpu.enqueue_dma source(%dma_start3A_169 : memref<64xi32, #tpu.memory_space<hbm>>) target(%arg14 : memref<64xi32, #tpu.memory_space<vmem>>) target_semaphore(%run_scoped3A : memref<!tpu.dma_semaphore, #tpu.memory_space<semaphore_mem>>)
          %dma_wait3A_170 = arith.constant 0 : i32
          %dma_wait3A_171 = tpu.memref_slice %arg4[%mul3A_157, %dma_wait3A_170] : memref<5120x64xi32, #tpu.memory_space<hbm>> -> memref<1x64xi32, #tpu.memory_space<hbm>>
          %dma_wait3A_172 = tpu.memref_squeeze %dma_wait3A_171 : memref<1x64xi32, #tpu.memory_space<hbm>> -> memref<64xi32, #tpu.memory_space<hbm>>
          %dma_wait3A_173 = arith.constant 0 : i32
          %dma_wait3A_174 = tpu.memref_slice %arg4[%mul3A_157, %dma_wait3A_173] : memref<5120x64xi32, #tpu.memory_space<hbm>> -> memref<1x64xi32, #tpu.memory_space<hbm>>
          %dma_wait3A_175 = tpu.memref_squeeze %dma_wait3A_174 : memref<1x64xi32, #tpu.memory_space<hbm>> -> memref<64xi32, #tpu.memory_space<hbm>>
          tpu.wait_dma2 semaphore(%run_scoped3A : memref<!tpu.dma_semaphore, #tpu.memory_space<semaphore_mem>>) src(%dma_wait3A_175 : memref<64xi32, #tpu.memory_space<hbm>>) dst(%arg14 : memref<64xi32, #tpu.memory_space<vmem>>)
          tpu.yield
        }) : () -> ()
        %add3A_160 = arith.constant 1 : i32
        %add3A_161 = arith.addi %mul3A_157, %add3A_160 : i32
        "tpu.region"() ({
          %run_scoped3A = tpu.sem_alloc : memref<!tpu.dma_semaphore, #tpu.memory_space<semaphore_mem>>
          %dma_start3A_164 = arith.constant 0 : i32
          %dma_start3A_165 = tpu.memref_slice %arg4[%add3A_161, %dma_start3A_164] : memref<5120x64xi32, #tpu.memory_space<hbm>> -> memref<1x64xi32, #tpu.memory_space<hbm>>
          %dma_start3A_166 = tpu.memref_squeeze %dma_start3A_165 : memref<1x64xi32, #tpu.memory_space<hbm>> -> memref<64xi32, #tpu.memory_space<hbm>>
          %dma_start3A_167 = arith.constant 0 : i32
          %dma_start3A_168 = tpu.memref_slice %arg4[%add3A_161, %dma_start3A_167] : memref<5120x64xi32, #tpu.memory_space<hbm>> -> memref<1x64xi32, #tpu.memory_space<hbm>>
          %dma_start3A_169 = tpu.memref_squeeze %dma_start3A_168 : memref<1x64xi32, #tpu.memory_space<hbm>> -> memref<64xi32, #tpu.memory_space<hbm>>
          tpu.enqueue_dma source(%dma_start3A_169 : memref<64xi32, #tpu.memory_space<hbm>>) target(%arg15 : memref<64xi32, #tpu.memory_space<vmem>>) target_semaphore(%run_scoped3A : memref<!tpu.dma_semaphore, #tpu.memory_space<semaphore_mem>>)
          %dma_wait3A_170 = arith.constant 0 : i32
          %dma_wait3A_171 = tpu.memref_slice %arg4[%add3A_161, %dma_wait3A_170] : memref<5120x64xi32, #tpu.memory_space<hbm>> -> memref<1x64xi32, #tpu.memory_space<hbm>>
          %dma_wait3A_172 = tpu.memref_squeeze %dma_wait3A_171 : memref<1x64xi32, #tpu.memory_space<hbm>> -> memref<64xi32, #tpu.memory_space<hbm>>
          %dma_wait3A_173 = arith.constant 0 : i32
          %dma_wait3A_174 = tpu.memref_slice %arg4[%add3A_161, %dma_wait3A_173] : memref<5120x64xi32, #tpu.memory_space<hbm>> -> memref<1x64xi32, #tpu.memory_space<hbm>>
          %dma_wait3A_175 = tpu.memref_squeeze %dma_wait3A_174 : memref<1x64xi32, #tpu.memory_space<hbm>> -> memref<64xi32, #tpu.memory_space<hbm>>
          tpu.wait_dma2 semaphore(%run_scoped3A : memref<!tpu.dma_semaphore, #tpu.memory_space<semaphore_mem>>) src(%dma_wait3A_175 : memref<64xi32, #tpu.memory_space<hbm>>) dst(%arg15 : memref<64xi32, #tpu.memory_space<vmem>>)
          tpu.yield
        }) : () -> ()
        "tpu.region"() ({
          %run_scoped3A = tpu.sem_alloc : memref<!tpu.dma_semaphore, #tpu.memory_space<semaphore_mem>>
          %dma_start3A_164 = arith.constant 0 : i32
          %dma_start3A_165 = tpu.memref_slice %arg5[%mul3A_157, %dma_start3A_164] : memref<5120x64xi32, #tpu.memory_space<hbm>> -> memref<1x64xi32, #tpu.memory_space<hbm>>
          %dma_start3A_166 = tpu.memref_squeeze %dma_start3A_165 : memref<1x64xi32, #tpu.memory_space<hbm>> -> memref<64xi32, #tpu.memory_space<hbm>>
          %dma_start3A_167 = arith.constant 0 : i32
          %dma_start3A_168 = tpu.memref_slice %arg5[%mul3A_157, %dma_start3A_167] : memref<5120x64xi32, #tpu.memory_space<hbm>> -> memref<1x64xi32, #tpu.memory_space<hbm>>
          %dma_start3A_169 = tpu.memref_squeeze %dma_start3A_168 : memref<1x64xi32, #tpu.memory_space<hbm>> -> memref<64xi32, #tpu.memory_space<hbm>>
          tpu.enqueue_dma source(%dma_start3A_169 : memref<64xi32, #tpu.memory_space<hbm>>) target(%arg18 : memref<64xi32, #tpu.memory_space<vmem>>) target_semaphore(%run_scoped3A : memref<!tpu.dma_semaphore, #tpu.memory_space<semaphore_mem>>)
          %dma_wait3A_170 = arith.constant 0 : i32
          %dma_wait3A_171 = tpu.memref_slice %arg5[%mul3A_157, %dma_wait3A_170] : memref<5120x64xi32, #tpu.memory_space<hbm>> -> memref<1x64xi32, #tpu.memory_space<hbm>>
          %dma_wait3A_172 = tpu.memref_squeeze %dma_wait3A_171 : memref<1x64xi32, #tpu.memory_space<hbm>> -> memref<64xi32, #tpu.memory_space<hbm>>
          %dma_wait3A_173 = arith.constant 0 : i32
          %dma_wait3A_174 = tpu.memref_slice %arg5[%mul3A_157, %dma_wait3A_173] : memref<5120x64xi32, #tpu.memory_space<hbm>> -> memref<1x64xi32, #tpu.memory_space<hbm>>
          %dma_wait3A_175 = tpu.memref_squeeze %dma_wait3A_174 : memref<1x64xi32, #tpu.memory_space<hbm>> -> memref<64xi32, #tpu.memory_space<hbm>>
          tpu.wait_dma2 semaphore(%run_scoped3A : memref<!tpu.dma_semaphore, #tpu.memory_space<semaphore_mem>>) src(%dma_wait3A_175 : memref<64xi32, #tpu.memory_space<hbm>>) dst(%arg18 : memref<64xi32, #tpu.memory_space<vmem>>)
          tpu.yield
        }) : () -> ()
        %add3A_162 = arith.constant 1 : i32
        %add3A_163 = arith.addi %mul3A_157, %add3A_162 : i32
        "tpu.region"() ({
          %run_scoped3A = tpu.sem_alloc : memref<!tpu.dma_semaphore, #tpu.memory_space<semaphore_mem>>
          %dma_start3A_164 = arith.constant 0 : i32
          %dma_start3A_165 = tpu.memref_slice %arg5[%add3A_163, %dma_start3A_164] : memref<5120x64xi32, #tpu.memory_space<hbm>> -> memref<1x64xi32, #tpu.memory_space<hbm>>
          %dma_start3A_166 = tpu.memref_squeeze %dma_start3A_165 : memref<1x64xi32, #tpu.memory_space<hbm>> -> memref<64xi32, #tpu.memory_space<hbm>>
          %dma_start3A_167 = arith.constant 0 : i32
          %dma_start3A_168 = tpu.memref_slice %arg5[%add3A_163, %dma_start3A_167] : memref<5120x64xi32, #tpu.memory_space<hbm>> -> memref<1x64xi32, #tpu.memory_space<hbm>>
          %dma_start3A_169 = tpu.memref_squeeze %dma_start3A_168 : memref<1x64xi32, #tpu.memory_space<hbm>> -> memref<64xi32, #tpu.memory_space<hbm>>
          tpu.enqueue_dma source(%dma_start3A_169 : memref<64xi32, #tpu.memory_space<hbm>>) target(%arg19 : memref<64xi32, #tpu.memory_space<vmem>>) target_semaphore(%run_scoped3A : memref<!tpu.dma_semaphore, #tpu.memory_space<semaphore_mem>>)
          %dma_wait3A_170 = arith.constant 0 : i32
          %dma_wait3A_171 = tpu.memref_slice %arg5[%add3A_163, %dma_wait3A_170] : memref<5120x64xi32, #tpu.memory_space<hbm>> -> memref<1x64xi32, #tpu.memory_space<hbm>>
          %dma_wait3A_172 = tpu.memref_squeeze %dma_wait3A_171 : memref<1x64xi32, #tpu.memory_space<hbm>> -> memref<64xi32, #tpu.memory_space<hbm>>
          %dma_wait3A_173 = arith.constant 0 : i32
          %dma_wait3A_174 = tpu.memref_slice %arg5[%add3A_163, %dma_wait3A_173] : memref<5120x64xi32, #tpu.memory_space<hbm>> -> memref<1x64xi32, #tpu.memory_space<hbm>>
          %dma_wait3A_175 = tpu.memref_squeeze %dma_wait3A_174 : memref<1x64xi32, #tpu.memory_space<hbm>> -> memref<64xi32, #tpu.memory_space<hbm>>
          tpu.wait_dma2 semaphore(%run_scoped3A : memref<!tpu.dma_semaphore, #tpu.memory_space<semaphore_mem>>) src(%dma_wait3A_175 : memref<64xi32, #tpu.memory_space<hbm>>) dst(%arg19 : memref<64xi32, #tpu.memory_space<vmem>>)
          tpu.yield
        }) : () -> ()
      } else {
      }
      %dma_wait3A_78 = arith.constant 0 : i32
      %dma_wait3A_79 = arith.constant 0 : i32
      %dma_wait3A_80 = tpu.memref_slice %arg24[%dma_wait3A_78, %dma_wait3A_79] : memref<10240x128xf32, #tpu.memory_space<vmem_shared>> -> memref<10240x128xf32, #tpu.memory_space<vmem_shared>>
      tpu.wait_indirect_dma semaphore(%arg29 : memref<!tpu.dma_semaphore, #tpu.memory_space<semaphore_mem>>) src(%arg20 : memref<64x128xf32, #tpu.memory_space<vmem>>) dst(%dma_wait3A_80 : memref<10240x128xf32, #tpu.memory_space<vmem_shared>>)
      %dma_wait3A_81 = arith.constant 0 : i32
      %dma_wait3A_82 = arith.constant 0 : i32
      %dma_wait3A_83 = tpu.memref_slice %arg24[%dma_wait3A_81, %dma_wait3A_82] : memref<10240x128xf32, #tpu.memory_space<vmem_shared>> -> memref<10240x128xf32, #tpu.memory_space<vmem_shared>>
      tpu.wait_indirect_dma semaphore(%arg30 : memref<!tpu.dma_semaphore, #tpu.memory_space<semaphore_mem>>) src(%arg21 : memref<64x128xf32, #tpu.memory_space<vmem>>) dst(%dma_wait3A_83 : memref<10240x128xf32, #tpu.memory_space<vmem_shared>>)
      %dma_wait3A_84 = arith.constant 0 : i32
      %dma_wait3A_85 = arith.constant 0 : i32
      %dma_wait3A_86 = tpu.memref_slice %arg24[%dma_wait3A_84, %dma_wait3A_85] : memref<10240x128xf32, #tpu.memory_space<vmem_shared>> -> memref<10240x128xf32, #tpu.memory_space<vmem_shared>>
      tpu.wait_indirect_dma semaphore(%arg31 : memref<!tpu.dma_semaphore, #tpu.memory_space<semaphore_mem>>) src(%arg22 : memref<64x128xf32, #tpu.memory_space<vmem>>) dst(%dma_wait3A_86 : memref<10240x128xf32, #tpu.memory_space<vmem_shared>>)
      %dma_wait3A_87 = arith.constant 0 : i32
      %dma_wait3A_88 = arith.constant 0 : i32
      %dma_wait3A_89 = tpu.memref_slice %arg24[%dma_wait3A_87, %dma_wait3A_88] : memref<10240x128xf32, #tpu.memory_space<vmem_shared>> -> memref<10240x128xf32, #tpu.memory_space<vmem_shared>>
      tpu.wait_indirect_dma semaphore(%arg32 : memref<!tpu.dma_semaphore, #tpu.memory_space<semaphore_mem>>) src(%arg23 : memref<64x128xf32, #tpu.memory_space<vmem>>) dst(%dma_wait3A_89 : memref<10240x128xf32, #tpu.memory_space<vmem_shared>>)
      %add3A_90 = arith.constant 1 : i32
      %add3A_91 = arith.addi %add3A_50, %add3A_90 : i32
      %lt3A_92 = arith.constant 80 : i32
      %lt3A_93 = arith.cmpi slt, %add3A_91, %lt3A_92 : i32
      %convert_element_type3A_94 = arith.extui %lt3A_93 : i1 to i32
      %cond3A_95 = arith.constant 0 : i32
      %cond3A_96 = arith.cmpi ne, %convert_element_type3A_94, %cond3A_95 : i32
      scf.if %cond3A_96 {
        %dma_start3A_151 = arith.constant 0 : i32
        %dma_start3A_152 = arith.constant 0 : i32
        %dma_start3A_153 = tpu.memref_slice %arg2[%dma_start3A_151, %dma_start3A_152] : memref<10000x128xf32, #tpu.memory_space<hbm>> -> memref<10000x128xf32, #tpu.memory_space<hbm>>
        tpu.enqueue_indirect_dma source(%dma_start3A_153 : memref<10000x128xf32, #tpu.memory_space<hbm>>) target(%arg20 : memref<64x128xf32, #tpu.memory_space<vmem>>) offsets(%arg10 : memref<64xi32, #tpu.memory_space<vmem>>) semaphore(%arg25 : memref<!tpu.dma_semaphore, #tpu.memory_space<semaphore_mem>>)
        %dma_start3A_154 = arith.constant 0 : i32
        %dma_start3A_155 = arith.constant 0 : i32
        %dma_start3A_156 = tpu.memref_slice %arg2[%dma_start3A_154, %dma_start3A_155] : memref<10000x128xf32, #tpu.memory_space<hbm>> -> memref<10000x128xf32, #tpu.memory_space<hbm>>
        tpu.enqueue_indirect_dma source(%dma_start3A_156 : memref<10000x128xf32, #tpu.memory_space<hbm>>) target(%arg21 : memref<64x128xf32, #tpu.memory_space<vmem>>) offsets(%arg11 : memref<64xi32, #tpu.memory_space<vmem>>) semaphore(%arg26 : memref<!tpu.dma_semaphore, #tpu.memory_space<semaphore_mem>>)
        %dma_start3A_157 = arith.constant 0 : i32
        %dma_start3A_158 = arith.constant 0 : i32
        %dma_start3A_159 = tpu.memref_slice %arg6[%dma_start3A_157, %dma_start3A_158] : memref<16384x128xf32, #tpu.memory_space<hbm>> -> memref<16384x128xf32, #tpu.memory_space<hbm>>
        tpu.enqueue_indirect_dma source(%dma_start3A_159 : memref<16384x128xf32, #tpu.memory_space<hbm>>) target(%arg22 : memref<64x128xf32, #tpu.memory_space<vmem>>) offsets(%arg18 : memref<64xi32, #tpu.memory_space<vmem>>) semaphore(%arg27 : memref<!tpu.dma_semaphore, #tpu.memory_space<semaphore_mem>>)
        %dma_start3A_160 = arith.constant 0 : i32
        %dma_start3A_161 = arith.constant 0 : i32
        %dma_start3A_162 = tpu.memref_slice %arg6[%dma_start3A_160, %dma_start3A_161] : memref<16384x128xf32, #tpu.memory_space<hbm>> -> memref<16384x128xf32, #tpu.memory_space<hbm>>
        tpu.enqueue_indirect_dma source(%dma_start3A_162 : memref<16384x128xf32, #tpu.memory_space<hbm>>) target(%arg23 : memref<64x128xf32, #tpu.memory_space<vmem>>) offsets(%arg19 : memref<64xi32, #tpu.memory_space<vmem>>) semaphore(%arg28 : memref<!tpu.dma_semaphore, #tpu.memory_space<semaphore_mem>>)
      } else {
      }
      %mul3A_97 = arith.constant 2 : i32
      %mul3A_98 = arith.muli %mul3A_97, %scan3A_46 : i32
      %add3A_99 = arith.constant 1 : i32
      %add3A_100 = arith.addi %mul3A_98, %add3A_99 : i32
      %dma_wait3A_101 = arith.constant 0 : i32
      %dma_wait3A_102 = arith.constant 0 : i32
      %dma_wait3A_103 = tpu.memref_slice %arg2[%dma_wait3A_101, %dma_wait3A_102] : memref<10000x128xf32, #tpu.memory_space<hbm>> -> memref<10000x128xf32, #tpu.memory_space<hbm>>
      tpu.wait_indirect_dma semaphore(%arg25 : memref<!tpu.dma_semaphore, #tpu.memory_space<semaphore_mem>>) src(%dma_wait3A_103 : memref<10000x128xf32, #tpu.memory_space<hbm>>) dst(%arg20 : memref<64x128xf32, #tpu.memory_space<vmem>>)
      %dma_wait3A_104 = arith.constant 0 : i32
      %dma_wait3A_105 = arith.constant 0 : i32
      %dma_wait3A_106 = tpu.memref_slice %arg2[%dma_wait3A_104, %dma_wait3A_105] : memref<10000x128xf32, #tpu.memory_space<hbm>> -> memref<10000x128xf32, #tpu.memory_space<hbm>>
      tpu.wait_indirect_dma semaphore(%arg26 : memref<!tpu.dma_semaphore, #tpu.memory_space<semaphore_mem>>) src(%dma_wait3A_106 : memref<10000x128xf32, #tpu.memory_space<hbm>>) dst(%arg21 : memref<64x128xf32, #tpu.memory_space<vmem>>)
      %dma_wait3A_107 = arith.constant 0 : i32
      %dma_wait3A_108 = arith.constant 0 : i32
      %dma_wait3A_109 = tpu.memref_slice %arg6[%dma_wait3A_107, %dma_wait3A_108] : memref<16384x128xf32, #tpu.memory_space<hbm>> -> memref<16384x128xf32, #tpu.memory_space<hbm>>
      tpu.wait_indirect_dma semaphore(%arg27 : memref<!tpu.dma_semaphore, #tpu.memory_space<semaphore_mem>>) src(%dma_wait3A_109 : memref<16384x128xf32, #tpu.memory_space<hbm>>) dst(%arg22 : memref<64x128xf32, #tpu.memory_space<vmem>>)
      %dma_wait3A_110 = arith.constant 0 : i32
      %dma_wait3A_111 = arith.constant 0 : i32
      %dma_wait3A_112 = tpu.memref_slice %arg6[%dma_wait3A_110, %dma_wait3A_111] : memref<16384x128xf32, #tpu.memory_space<hbm>> -> memref<16384x128xf32, #tpu.memory_space<hbm>>
      tpu.wait_indirect_dma semaphore(%arg28 : memref<!tpu.dma_semaphore, #tpu.memory_space<semaphore_mem>>) src(%dma_wait3A_112 : memref<16384x128xf32, #tpu.memory_space<hbm>>) dst(%arg23 : memref<64x128xf32, #tpu.memory_space<vmem>>)
      %dma_start3A_113 = arith.constant 0 : i32
      %dma_start3A_114 = arith.constant 0 : i32
      %dma_start3A_115 = tpu.memref_slice %arg24[%dma_start3A_113, %dma_start3A_114] : memref<10240x128xf32, #tpu.memory_space<vmem_shared>> -> memref<10240x128xf32, #tpu.memory_space<vmem_shared>>
      tpu.enqueue_indirect_dma source(%arg20 : memref<64x128xf32, #tpu.memory_space<vmem>>) target(%dma_start3A_115 : memref<10240x128xf32, #tpu.memory_space<vmem_shared>>) offsets(%arg14 : memref<64xi32, #tpu.memory_space<vmem>>) semaphore(%arg29 : memref<!tpu.dma_semaphore, #tpu.memory_space<semaphore_mem>>) {add = true}
      %dma_start3A_116 = arith.constant 0 : i32
      %dma_start3A_117 = arith.constant 0 : i32
      %dma_start3A_118 = tpu.memref_slice %arg24[%dma_start3A_116, %dma_start3A_117] : memref<10240x128xf32, #tpu.memory_space<vmem_shared>> -> memref<10240x128xf32, #tpu.memory_space<vmem_shared>>
      tpu.enqueue_indirect_dma source(%arg21 : memref<64x128xf32, #tpu.memory_space<vmem>>) target(%dma_start3A_118 : memref<10240x128xf32, #tpu.memory_space<vmem_shared>>) offsets(%arg15 : memref<64xi32, #tpu.memory_space<vmem>>) semaphore(%arg30 : memref<!tpu.dma_semaphore, #tpu.memory_space<semaphore_mem>>) {add = true}
      %dma_start3A_119 = arith.constant 0 : i32
      %dma_start3A_120 = arith.constant 0 : i32
      %dma_start3A_121 = tpu.memref_slice %arg24[%dma_start3A_119, %dma_start3A_120] : memref<10240x128xf32, #tpu.memory_space<vmem_shared>> -> memref<10240x128xf32, #tpu.memory_space<vmem_shared>>
      tpu.enqueue_indirect_dma source(%arg22 : memref<64x128xf32, #tpu.memory_space<vmem>>) target(%dma_start3A_121 : memref<10240x128xf32, #tpu.memory_space<vmem_shared>>) offsets(%arg14 : memref<64xi32, #tpu.memory_space<vmem>>) semaphore(%arg31 : memref<!tpu.dma_semaphore, #tpu.memory_space<semaphore_mem>>) {add = true}
      %dma_start3A_122 = arith.constant 0 : i32
      %dma_start3A_123 = arith.constant 0 : i32
      %dma_start3A_124 = tpu.memref_slice %arg24[%dma_start3A_122, %dma_start3A_123] : memref<10240x128xf32, #tpu.memory_space<vmem_shared>> -> memref<10240x128xf32, #tpu.memory_space<vmem_shared>>
      tpu.enqueue_indirect_dma source(%arg23 : memref<64x128xf32, #tpu.memory_space<vmem>>) target(%dma_start3A_124 : memref<10240x128xf32, #tpu.memory_space<vmem_shared>>) offsets(%arg15 : memref<64xi32, #tpu.memory_space<vmem>>) semaphore(%arg32 : memref<!tpu.dma_semaphore, #tpu.memory_space<semaphore_mem>>) {add = true}
      %add3A_125 = arith.constant 1 : i32
      %add3A_126 = arith.addi %add3A_100, %add3A_125 : i32
      %lt3A_127 = arith.constant 80 : i32
      %lt3A_128 = arith.cmpi slt, %add3A_126, %lt3A_127 : i32
      %convert_element_type3A_129 = arith.extui %lt3A_128 : i1 to i32
      %cond3A_130 = arith.constant 0 : i32
      %cond3A_131 = arith.cmpi ne, %convert_element_type3A_129, %cond3A_130 : i32
      scf.if %cond3A_131 {
        %add3A_151 = arith.constant 1 : i32
        %add3A_152 = arith.addi %add3A_100, %add3A_151 : i32
        %mul3A_153 = arith.constant 80 : i32
        %mul3A_154 = arith.muli %add3A, %mul3A_153 : i32
        %add3A_155 = arith.addi %mul3A_154, %add3A_152 : i32
        %mul3A_156 = arith.constant 2 : i32
        %mul3A_157 = arith.muli %mul3A_156, %add3A_155 : i32
        "tpu.region"() ({
          %run_scoped3A = tpu.sem_alloc : memref<!tpu.dma_semaphore, #tpu.memory_space<semaphore_mem>>
          %dma_start3A_164 = arith.constant 0 : i32
          %dma_start3A_165 = tpu.memref_slice %arg3[%mul3A_157, %dma_start3A_164] : memref<5120x64xi32, #tpu.memory_space<hbm>> -> memref<1x64xi32, #tpu.memory_space<hbm>>
          %dma_start3A_166 = tpu.memref_squeeze %dma_start3A_165 : memref<1x64xi32, #tpu.memory_space<hbm>> -> memref<64xi32, #tpu.memory_space<hbm>>
          %dma_start3A_167 = arith.constant 0 : i32
          %dma_start3A_168 = tpu.memref_slice %arg3[%mul3A_157, %dma_start3A_167] : memref<5120x64xi32, #tpu.memory_space<hbm>> -> memref<1x64xi32, #tpu.memory_space<hbm>>
          %dma_start3A_169 = tpu.memref_squeeze %dma_start3A_168 : memref<1x64xi32, #tpu.memory_space<hbm>> -> memref<64xi32, #tpu.memory_space<hbm>>
          tpu.enqueue_dma source(%dma_start3A_169 : memref<64xi32, #tpu.memory_space<hbm>>) target(%arg8 : memref<64xi32, #tpu.memory_space<vmem>>) target_semaphore(%run_scoped3A : memref<!tpu.dma_semaphore, #tpu.memory_space<semaphore_mem>>)
          %dma_wait3A_170 = arith.constant 0 : i32
          %dma_wait3A_171 = tpu.memref_slice %arg3[%mul3A_157, %dma_wait3A_170] : memref<5120x64xi32, #tpu.memory_space<hbm>> -> memref<1x64xi32, #tpu.memory_space<hbm>>
          %dma_wait3A_172 = tpu.memref_squeeze %dma_wait3A_171 : memref<1x64xi32, #tpu.memory_space<hbm>> -> memref<64xi32, #tpu.memory_space<hbm>>
          %dma_wait3A_173 = arith.constant 0 : i32
          %dma_wait3A_174 = tpu.memref_slice %arg3[%mul3A_157, %dma_wait3A_173] : memref<5120x64xi32, #tpu.memory_space<hbm>> -> memref<1x64xi32, #tpu.memory_space<hbm>>
          %dma_wait3A_175 = tpu.memref_squeeze %dma_wait3A_174 : memref<1x64xi32, #tpu.memory_space<hbm>> -> memref<64xi32, #tpu.memory_space<hbm>>
          tpu.wait_dma2 semaphore(%run_scoped3A : memref<!tpu.dma_semaphore, #tpu.memory_space<semaphore_mem>>) src(%dma_wait3A_175 : memref<64xi32, #tpu.memory_space<hbm>>) dst(%arg8 : memref<64xi32, #tpu.memory_space<vmem>>)
          tpu.yield
        }) : () -> ()
        %add3A_158 = arith.constant 1 : i32
        %add3A_159 = arith.addi %mul3A_157, %add3A_158 : i32
        "tpu.region"() ({
          %run_scoped3A = tpu.sem_alloc : memref<!tpu.dma_semaphore, #tpu.memory_space<semaphore_mem>>
          %dma_start3A_164 = arith.constant 0 : i32
          %dma_start3A_165 = tpu.memref_slice %arg3[%add3A_159, %dma_start3A_164] : memref<5120x64xi32, #tpu.memory_space<hbm>> -> memref<1x64xi32, #tpu.memory_space<hbm>>
          %dma_start3A_166 = tpu.memref_squeeze %dma_start3A_165 : memref<1x64xi32, #tpu.memory_space<hbm>> -> memref<64xi32, #tpu.memory_space<hbm>>
          %dma_start3A_167 = arith.constant 0 : i32
          %dma_start3A_168 = tpu.memref_slice %arg3[%add3A_159, %dma_start3A_167] : memref<5120x64xi32, #tpu.memory_space<hbm>> -> memref<1x64xi32, #tpu.memory_space<hbm>>
          %dma_start3A_169 = tpu.memref_squeeze %dma_start3A_168 : memref<1x64xi32, #tpu.memory_space<hbm>> -> memref<64xi32, #tpu.memory_space<hbm>>
          tpu.enqueue_dma source(%dma_start3A_169 : memref<64xi32, #tpu.memory_space<hbm>>) target(%arg9 : memref<64xi32, #tpu.memory_space<vmem>>) target_semaphore(%run_scoped3A : memref<!tpu.dma_semaphore, #tpu.memory_space<semaphore_mem>>)
          %dma_wait3A_170 = arith.constant 0 : i32
          %dma_wait3A_171 = tpu.memref_slice %arg3[%add3A_159, %dma_wait3A_170] : memref<5120x64xi32, #tpu.memory_space<hbm>> -> memref<1x64xi32, #tpu.memory_space<hbm>>
          %dma_wait3A_172 = tpu.memref_squeeze %dma_wait3A_171 : memref<1x64xi32, #tpu.memory_space<hbm>> -> memref<64xi32, #tpu.memory_space<hbm>>
          %dma_wait3A_173 = arith.constant 0 : i32
          %dma_wait3A_174 = tpu.memref_slice %arg3[%add3A_159, %dma_wait3A_173] : memref<5120x64xi32, #tpu.memory_space<hbm>> -> memref<1x64xi32, #tpu.memory_space<hbm>>
          %dma_wait3A_175 = tpu.memref_squeeze %dma_wait3A_174 : memref<1x64xi32, #tpu.memory_space<hbm>> -> memref<64xi32, #tpu.memory_space<hbm>>
          tpu.wait_dma2 semaphore(%run_scoped3A : memref<!tpu.dma_semaphore, #tpu.memory_space<semaphore_mem>>) src(%dma_wait3A_175 : memref<64xi32, #tpu.memory_space<hbm>>) dst(%arg9 : memref<64xi32, #tpu.memory_space<vmem>>)
          tpu.yield
        }) : () -> ()
        "tpu.region"() ({
          %run_scoped3A = tpu.sem_alloc : memref<!tpu.dma_semaphore, #tpu.memory_space<semaphore_mem>>
          %dma_start3A_164 = arith.constant 0 : i32
          %dma_start3A_165 = tpu.memref_slice %arg4[%mul3A_157, %dma_start3A_164] : memref<5120x64xi32, #tpu.memory_space<hbm>> -> memref<1x64xi32, #tpu.memory_space<hbm>>
          %dma_start3A_166 = tpu.memref_squeeze %dma_start3A_165 : memref<1x64xi32, #tpu.memory_space<hbm>> -> memref<64xi32, #tpu.memory_space<hbm>>
          %dma_start3A_167 = arith.constant 0 : i32
          %dma_start3A_168 = tpu.memref_slice %arg4[%mul3A_157, %dma_start3A_167] : memref<5120x64xi32, #tpu.memory_space<hbm>> -> memref<1x64xi32, #tpu.memory_space<hbm>>
          %dma_start3A_169 = tpu.memref_squeeze %dma_start3A_168 : memref<1x64xi32, #tpu.memory_space<hbm>> -> memref<64xi32, #tpu.memory_space<hbm>>
          tpu.enqueue_dma source(%dma_start3A_169 : memref<64xi32, #tpu.memory_space<hbm>>) target(%arg12 : memref<64xi32, #tpu.memory_space<vmem>>) target_semaphore(%run_scoped3A : memref<!tpu.dma_semaphore, #tpu.memory_space<semaphore_mem>>)
          %dma_wait3A_170 = arith.constant 0 : i32
          %dma_wait3A_171 = tpu.memref_slice %arg4[%mul3A_157, %dma_wait3A_170] : memref<5120x64xi32, #tpu.memory_space<hbm>> -> memref<1x64xi32, #tpu.memory_space<hbm>>
          %dma_wait3A_172 = tpu.memref_squeeze %dma_wait3A_171 : memref<1x64xi32, #tpu.memory_space<hbm>> -> memref<64xi32, #tpu.memory_space<hbm>>
          %dma_wait3A_173 = arith.constant 0 : i32
          %dma_wait3A_174 = tpu.memref_slice %arg4[%mul3A_157, %dma_wait3A_173] : memref<5120x64xi32, #tpu.memory_space<hbm>> -> memref<1x64xi32, #tpu.memory_space<hbm>>
          %dma_wait3A_175 = tpu.memref_squeeze %dma_wait3A_174 : memref<1x64xi32, #tpu.memory_space<hbm>> -> memref<64xi32, #tpu.memory_space<hbm>>
          tpu.wait_dma2 semaphore(%run_scoped3A : memref<!tpu.dma_semaphore, #tpu.memory_space<semaphore_mem>>) src(%dma_wait3A_175 : memref<64xi32, #tpu.memory_space<hbm>>) dst(%arg12 : memref<64xi32, #tpu.memory_space<vmem>>)
          tpu.yield
        }) : () -> ()
        %add3A_160 = arith.constant 1 : i32
        %add3A_161 = arith.addi %mul3A_157, %add3A_160 : i32
        "tpu.region"() ({
          %run_scoped3A = tpu.sem_alloc : memref<!tpu.dma_semaphore, #tpu.memory_space<semaphore_mem>>
          %dma_start3A_164 = arith.constant 0 : i32
          %dma_start3A_165 = tpu.memref_slice %arg4[%add3A_161, %dma_start3A_164] : memref<5120x64xi32, #tpu.memory_space<hbm>> -> memref<1x64xi32, #tpu.memory_space<hbm>>
          %dma_start3A_166 = tpu.memref_squeeze %dma_start3A_165 : memref<1x64xi32, #tpu.memory_space<hbm>> -> memref<64xi32, #tpu.memory_space<hbm>>
          %dma_start3A_167 = arith.constant 0 : i32
          %dma_start3A_168 = tpu.memref_slice %arg4[%add3A_161, %dma_start3A_167] : memref<5120x64xi32, #tpu.memory_space<hbm>> -> memref<1x64xi32, #tpu.memory_space<hbm>>
          %dma_start3A_169 = tpu.memref_squeeze %dma_start3A_168 : memref<1x64xi32, #tpu.memory_space<hbm>> -> memref<64xi32, #tpu.memory_space<hbm>>
          tpu.enqueue_dma source(%dma_start3A_169 : memref<64xi32, #tpu.memory_space<hbm>>) target(%arg13 : memref<64xi32, #tpu.memory_space<vmem>>) target_semaphore(%run_scoped3A : memref<!tpu.dma_semaphore, #tpu.memory_space<semaphore_mem>>)
          %dma_wait3A_170 = arith.constant 0 : i32
          %dma_wait3A_171 = tpu.memref_slice %arg4[%add3A_161, %dma_wait3A_170] : memref<5120x64xi32, #tpu.memory_space<hbm>> -> memref<1x64xi32, #tpu.memory_space<hbm>>
          %dma_wait3A_172 = tpu.memref_squeeze %dma_wait3A_171 : memref<1x64xi32, #tpu.memory_space<hbm>> -> memref<64xi32, #tpu.memory_space<hbm>>
          %dma_wait3A_173 = arith.constant 0 : i32
          %dma_wait3A_174 = tpu.memref_slice %arg4[%add3A_161, %dma_wait3A_173] : memref<5120x64xi32, #tpu.memory_space<hbm>> -> memref<1x64xi32, #tpu.memory_space<hbm>>
          %dma_wait3A_175 = tpu.memref_squeeze %dma_wait3A_174 : memref<1x64xi32, #tpu.memory_space<hbm>> -> memref<64xi32, #tpu.memory_space<hbm>>
          tpu.wait_dma2 semaphore(%run_scoped3A : memref<!tpu.dma_semaphore, #tpu.memory_space<semaphore_mem>>) src(%dma_wait3A_175 : memref<64xi32, #tpu.memory_space<hbm>>) dst(%arg13 : memref<64xi32, #tpu.memory_space<vmem>>)
          tpu.yield
        }) : () -> ()
        "tpu.region"() ({
          %run_scoped3A = tpu.sem_alloc : memref<!tpu.dma_semaphore, #tpu.memory_space<semaphore_mem>>
          %dma_start3A_164 = arith.constant 0 : i32
          %dma_start3A_165 = tpu.memref_slice %arg5[%mul3A_157, %dma_start3A_164] : memref<5120x64xi32, #tpu.memory_space<hbm>> -> memref<1x64xi32, #tpu.memory_space<hbm>>
          %dma_start3A_166 = tpu.memref_squeeze %dma_start3A_165 : memref<1x64xi32, #tpu.memory_space<hbm>> -> memref<64xi32, #tpu.memory_space<hbm>>
          %dma_start3A_167 = arith.constant 0 : i32
          %dma_start3A_168 = tpu.memref_slice %arg5[%mul3A_157, %dma_start3A_167] : memref<5120x64xi32, #tpu.memory_space<hbm>> -> memref<1x64xi32, #tpu.memory_space<hbm>>
          %dma_start3A_169 = tpu.memref_squeeze %dma_start3A_168 : memref<1x64xi32, #tpu.memory_space<hbm>> -> memref<64xi32, #tpu.memory_space<hbm>>
          tpu.enqueue_dma source(%dma_start3A_169 : memref<64xi32, #tpu.memory_space<hbm>>) target(%arg16 : memref<64xi32, #tpu.memory_space<vmem>>) target_semaphore(%run_scoped3A : memref<!tpu.dma_semaphore, #tpu.memory_space<semaphore_mem>>)
          %dma_wait3A_170 = arith.constant 0 : i32
          %dma_wait3A_171 = tpu.memref_slice %arg5[%mul3A_157, %dma_wait3A_170] : memref<5120x64xi32, #tpu.memory_space<hbm>> -> memref<1x64xi32, #tpu.memory_space<hbm>>
          %dma_wait3A_172 = tpu.memref_squeeze %dma_wait3A_171 : memref<1x64xi32, #tpu.memory_space<hbm>> -> memref<64xi32, #tpu.memory_space<hbm>>
          %dma_wait3A_173 = arith.constant 0 : i32
          %dma_wait3A_174 = tpu.memref_slice %arg5[%mul3A_157, %dma_wait3A_173] : memref<5120x64xi32, #tpu.memory_space<hbm>> -> memref<1x64xi32, #tpu.memory_space<hbm>>
          %dma_wait3A_175 = tpu.memref_squeeze %dma_wait3A_174 : memref<1x64xi32, #tpu.memory_space<hbm>> -> memref<64xi32, #tpu.memory_space<hbm>>
          tpu.wait_dma2 semaphore(%run_scoped3A : memref<!tpu.dma_semaphore, #tpu.memory_space<semaphore_mem>>) src(%dma_wait3A_175 : memref<64xi32, #tpu.memory_space<hbm>>) dst(%arg16 : memref<64xi32, #tpu.memory_space<vmem>>)
          tpu.yield
        }) : () -> ()
        %add3A_162 = arith.constant 1 : i32
        %add3A_163 = arith.addi %mul3A_157, %add3A_162 : i32
        "tpu.region"() ({
          %run_scoped3A = tpu.sem_alloc : memref<!tpu.dma_semaphore, #tpu.memory_space<semaphore_mem>>
          %dma_start3A_164 = arith.constant 0 : i32
          %dma_start3A_165 = tpu.memref_slice %arg5[%add3A_163, %dma_start3A_164] : memref<5120x64xi32, #tpu.memory_space<hbm>> -> memref<1x64xi32, #tpu.memory_space<hbm>>
          %dma_start3A_166 = tpu.memref_squeeze %dma_start3A_165 : memref<1x64xi32, #tpu.memory_space<hbm>> -> memref<64xi32, #tpu.memory_space<hbm>>
          %dma_start3A_167 = arith.constant 0 : i32
          %dma_start3A_168 = tpu.memref_slice %arg5[%add3A_163, %dma_start3A_167] : memref<5120x64xi32, #tpu.memory_space<hbm>> -> memref<1x64xi32, #tpu.memory_space<hbm>>
          %dma_start3A_169 = tpu.memref_squeeze %dma_start3A_168 : memref<1x64xi32, #tpu.memory_space<hbm>> -> memref<64xi32, #tpu.memory_space<hbm>>
          tpu.enqueue_dma source(%dma_start3A_169 : memref<64xi32, #tpu.memory_space<hbm>>) target(%arg17 : memref<64xi32, #tpu.memory_space<vmem>>) target_semaphore(%run_scoped3A : memref<!tpu.dma_semaphore, #tpu.memory_space<semaphore_mem>>)
          %dma_wait3A_170 = arith.constant 0 : i32
          %dma_wait3A_171 = tpu.memref_slice %arg5[%add3A_163, %dma_wait3A_170] : memref<5120x64xi32, #tpu.memory_space<hbm>> -> memref<1x64xi32, #tpu.memory_space<hbm>>
          %dma_wait3A_172 = tpu.memref_squeeze %dma_wait3A_171 : memref<1x64xi32, #tpu.memory_space<hbm>> -> memref<64xi32, #tpu.memory_space<hbm>>
          %dma_wait3A_173 = arith.constant 0 : i32
          %dma_wait3A_174 = tpu.memref_slice %arg5[%add3A_163, %dma_wait3A_173] : memref<5120x64xi32, #tpu.memory_space<hbm>> -> memref<1x64xi32, #tpu.memory_space<hbm>>
          %dma_wait3A_175 = tpu.memref_squeeze %dma_wait3A_174 : memref<1x64xi32, #tpu.memory_space<hbm>> -> memref<64xi32, #tpu.memory_space<hbm>>
          tpu.wait_dma2 semaphore(%run_scoped3A : memref<!tpu.dma_semaphore, #tpu.memory_space<semaphore_mem>>) src(%dma_wait3A_175 : memref<64xi32, #tpu.memory_space<hbm>>) dst(%arg17 : memref<64xi32, #tpu.memory_space<vmem>>)
          tpu.yield
        }) : () -> ()
      } else {
      }
      %dma_wait3A_132 = arith.constant 0 : i32
      %dma_wait3A_133 = arith.constant 0 : i32
      %dma_wait3A_134 = tpu.memref_slice %arg24[%dma_wait3A_132, %dma_wait3A_133] : memref<10240x128xf32, #tpu.memory_space<vmem_shared>> -> memref<10240x128xf32, #tpu.memory_space<vmem_shared>>
      tpu.wait_indirect_dma semaphore(%arg29 : memref<!tpu.dma_semaphore, #tpu.memory_space<semaphore_mem>>) src(%arg20 : memref<64x128xf32, #tpu.memory_space<vmem>>) dst(%dma_wait3A_134 : memref<10240x128xf32, #tpu.memory_space<vmem_shared>>)
      %dma_wait3A_135 = arith.constant 0 : i32
      %dma_wait3A_136 = arith.constant 0 : i32
      %dma_wait3A_137 = tpu.memref_slice %arg24[%dma_wait3A_135, %dma_wait3A_136] : memref<10240x128xf32, #tpu.memory_space<vmem_shared>> -> memref<10240x128xf32, #tpu.memory_space<vmem_shared>>
      tpu.wait_indirect_dma semaphore(%arg30 : memref<!tpu.dma_semaphore, #tpu.memory_space<semaphore_mem>>) src(%arg21 : memref<64x128xf32, #tpu.memory_space<vmem>>) dst(%dma_wait3A_137 : memref<10240x128xf32, #tpu.memory_space<vmem_shared>>)
      %dma_wait3A_138 = arith.constant 0 : i32
      %dma_wait3A_139 = arith.constant 0 : i32
      %dma_wait3A_140 = tpu.memref_slice %arg24[%dma_wait3A_138, %dma_wait3A_139] : memref<10240x128xf32, #tpu.memory_space<vmem_shared>> -> memref<10240x128xf32, #tpu.memory_space<vmem_shared>>
      tpu.wait_indirect_dma semaphore(%arg31 : memref<!tpu.dma_semaphore, #tpu.memory_space<semaphore_mem>>) src(%arg22 : memref<64x128xf32, #tpu.memory_space<vmem>>) dst(%dma_wait3A_140 : memref<10240x128xf32, #tpu.memory_space<vmem_shared>>)
      %dma_wait3A_141 = arith.constant 0 : i32
      %dma_wait3A_142 = arith.constant 0 : i32
      %dma_wait3A_143 = tpu.memref_slice %arg24[%dma_wait3A_141, %dma_wait3A_142] : memref<10240x128xf32, #tpu.memory_space<vmem_shared>> -> memref<10240x128xf32, #tpu.memory_space<vmem_shared>>
      tpu.wait_indirect_dma semaphore(%arg32 : memref<!tpu.dma_semaphore, #tpu.memory_space<semaphore_mem>>) src(%arg23 : memref<64x128xf32, #tpu.memory_space<vmem>>) dst(%dma_wait3A_143 : memref<10240x128xf32, #tpu.memory_space<vmem_shared>>)
      %add3A_144 = arith.constant 1 : i32
      %add3A_145 = arith.addi %add3A_100, %add3A_144 : i32
      %lt3A_146 = arith.constant 80 : i32
      %lt3A_147 = arith.cmpi slt, %add3A_145, %lt3A_146 : i32
      %convert_element_type3A_148 = arith.extui %lt3A_147 : i1 to i32
      %cond3A_149 = arith.constant 0 : i32
      %cond3A_150 = arith.cmpi ne, %convert_element_type3A_148, %cond3A_149 : i32
      scf.if %cond3A_150 {
        %dma_start3A_151 = arith.constant 0 : i32
        %dma_start3A_152 = arith.constant 0 : i32
        %dma_start3A_153 = tpu.memref_slice %arg2[%dma_start3A_151, %dma_start3A_152] : memref<10000x128xf32, #tpu.memory_space<hbm>> -> memref<10000x128xf32, #tpu.memory_space<hbm>>
        tpu.enqueue_indirect_dma source(%dma_start3A_153 : memref<10000x128xf32, #tpu.memory_space<hbm>>) target(%arg20 : memref<64x128xf32, #tpu.memory_space<vmem>>) offsets(%arg8 : memref<64xi32, #tpu.memory_space<vmem>>) semaphore(%arg25 : memref<!tpu.dma_semaphore, #tpu.memory_space<semaphore_mem>>)
        %dma_start3A_154 = arith.constant 0 : i32
        %dma_start3A_155 = arith.constant 0 : i32
        %dma_start3A_156 = tpu.memref_slice %arg2[%dma_start3A_154, %dma_start3A_155] : memref<10000x128xf32, #tpu.memory_space<hbm>> -> memref<10000x128xf32, #tpu.memory_space<hbm>>
        tpu.enqueue_indirect_dma source(%dma_start3A_156 : memref<10000x128xf32, #tpu.memory_space<hbm>>) target(%arg21 : memref<64x128xf32, #tpu.memory_space<vmem>>) offsets(%arg9 : memref<64xi32, #tpu.memory_space<vmem>>) semaphore(%arg26 : memref<!tpu.dma_semaphore, #tpu.memory_space<semaphore_mem>>)
        %dma_start3A_157 = arith.constant 0 : i32
        %dma_start3A_158 = arith.constant 0 : i32
        %dma_start3A_159 = tpu.memref_slice %arg6[%dma_start3A_157, %dma_start3A_158] : memref<16384x128xf32, #tpu.memory_space<hbm>> -> memref<16384x128xf32, #tpu.memory_space<hbm>>
        tpu.enqueue_indirect_dma source(%dma_start3A_159 : memref<16384x128xf32, #tpu.memory_space<hbm>>) target(%arg22 : memref<64x128xf32, #tpu.memory_space<vmem>>) offsets(%arg16 : memref<64xi32, #tpu.memory_space<vmem>>) semaphore(%arg27 : memref<!tpu.dma_semaphore, #tpu.memory_space<semaphore_mem>>)
        %dma_start3A_160 = arith.constant 0 : i32
        %dma_start3A_161 = arith.constant 0 : i32
        %dma_start3A_162 = tpu.memref_slice %arg6[%dma_start3A_160, %dma_start3A_161] : memref<16384x128xf32, #tpu.memory_space<hbm>> -> memref<16384x128xf32, #tpu.memory_space<hbm>>
        tpu.enqueue_indirect_dma source(%dma_start3A_162 : memref<16384x128xf32, #tpu.memory_space<hbm>>) target(%arg23 : memref<64x128xf32, #tpu.memory_space<vmem>>) offsets(%arg17 : memref<64xi32, #tpu.memory_space<vmem>>) semaphore(%arg28 : memref<!tpu.dma_semaphore, #tpu.memory_space<semaphore_mem>>)
      } else {
      }
    }
    %scan3A_40 = arith.constant 40 : i32
    %barrier3A_41 = arith.constant 0 : index
    tpu.barrier barrier_id(%barrier3A_41)
    %mul3A_42 = arith.constant 640 : i32
    %mul3A_43 = arith.muli %arg1, %mul3A_42 : i32
    %mul3A_44 = arith.constant 640 : i32
    %mul3A_45 = arith.muli %arg1, %mul3A_44 : i32
    "tpu.region"() ({
      %run_scoped3A = tpu.sem_alloc : memref<!tpu.dma_semaphore, #tpu.memory_space<semaphore_mem>>
      %dma_start3A_46 = arith.constant 0 : i32
      %dma_start3A_47 = tpu.memref_slice %arg7[%arg0, %mul3A_45, %dma_start3A_46] : memref<2x10240x128xf32, #tpu.memory_space<hbm>> -> memref<1x640x128xf32, #tpu.memory_space<hbm>>
      %dma_start3A_48 = tpu.memref_squeeze %dma_start3A_47 : memref<1x640x128xf32, #tpu.memory_space<hbm>> -> memref<640x128xf32, #tpu.memory_space<hbm>>
      %dma_start3A_49 = arith.constant 0 : i32
      %dma_start3A_50 = tpu.memref_slice %arg24[%mul3A_43, %dma_start3A_49] : memref<10240x128xf32, #tpu.memory_space<vmem_shared>> -> memref<640x128xf32, #tpu.memory_space<vmem_shared>>
      tpu.enqueue_dma source(%dma_start3A_50 : memref<640x128xf32, #tpu.memory_space<vmem_shared>>) target(%dma_start3A_48 : memref<640x128xf32, #tpu.memory_space<hbm>>) target_semaphore(%run_scoped3A : memref<!tpu.dma_semaphore, #tpu.memory_space<semaphore_mem>>)
      %dma_wait3A = arith.constant 0 : i32
      %dma_wait3A_51 = tpu.memref_slice %arg7[%arg0, %mul3A_45, %dma_wait3A] : memref<2x10240x128xf32, #tpu.memory_space<hbm>> -> memref<1x640x128xf32, #tpu.memory_space<hbm>>
      %dma_wait3A_52 = tpu.memref_squeeze %dma_wait3A_51 : memref<1x640x128xf32, #tpu.memory_space<hbm>> -> memref<640x128xf32, #tpu.memory_space<hbm>>
      %dma_wait3A_53 = arith.constant 0 : i32
      %dma_wait3A_54 = tpu.memref_slice %arg24[%mul3A_43, %dma_wait3A_53] : memref<10240x128xf32, #tpu.memory_space<vmem_shared>> -> memref<640x128xf32, #tpu.memory_space<vmem_shared>>
      tpu.wait_dma2 semaphore(%run_scoped3A : memref<!tpu.dma_semaphore, #tpu.memory_space<semaphore_mem>>) src(%dma_wait3A_54 : memref<640x128xf32, #tpu.memory_space<vmem_shared>>) dst(%dma_wait3A_52 : memref<640x128xf32, #tpu.memory_space<hbm>>)
      tpu.yield
    }) : () -> ()
    return
  }
}

module attributes {stable_mosaic.version = 14 : i64} {
  func.func @_tbl_body(%arg0: memref<6x128xf32, #tpu.memory_space<vmem>>, %arg1: memref<3x128xf32, #tpu.memory_space<vmem>>, %arg2: memref<32x128xf32, #tpu.memory_space<vmem>>) attributes {dimension_semantics = [], scalar_prefetch = 0 : i64, scratch_operands = 0 : i64, tpu.core_type = #tpu.core_type<tc>} {
    %iota3A = tpu.iota {dimensions = array<i32: 0>} : vector<32x1xi32>
    %iota3A_0 = tpu.iota {dimensions = array<i32: 1>} : vector<1x6xi32>
    %iota3A_1 = tpu.iota {dimensions = array<i32: 1>} : vector<1x3xi32>
    %jit3A = arith.constant 3 : i32
    %div3A = vector.broadcast %jit3A : i32 to vector<32x1xi32>
    %div3A_2 = arith.divsi %iota3A, %div3A : vector<32x1xi32>
    %sign3A = arith.constant 0 : i32
    %sign3A_3 = vector.broadcast %sign3A : i32 to vector<32x1xi32>
    %sign3A_4 = arith.cmpi sgt, %iota3A, %sign3A_3 : vector<32x1xi32>
    %sign3A_5 = arith.extui %sign3A_4 : vector<32x1xi1> to vector<32x1xi32>
    %sign3A_6 = arith.constant 0 : i32
    %sign3A_7 = vector.broadcast %sign3A_6 : i32 to vector<32x1xi32>
    %sign3A_8 = arith.cmpi slt, %iota3A, %sign3A_7 : vector<32x1xi32>
    %sign3A_9 = arith.extui %sign3A_8 : vector<32x1xi1> to vector<32x1xi32>
    %sign3A_10 = arith.subi %sign3A_5, %sign3A_9 : vector<32x1xi32>
    %sign3A_11 = arith.constant 0 : i32
    %sign3A_12 = arith.cmpi sgt, %jit3A, %sign3A_11 : i32
    %sign3A_13 = arith.extui %sign3A_12 : i1 to i32
    %sign3A_14 = arith.constant 0 : i32
    %sign3A_15 = arith.cmpi slt, %jit3A, %sign3A_14 : i32
    %sign3A_16 = arith.extui %sign3A_15 : i1 to i32
    %sign3A_17 = arith.subi %sign3A_13, %sign3A_16 : i32
    %ne3A = vector.broadcast %sign3A_17 : i32 to vector<32x1xi32>
    %ne3A_18 = arith.cmpi ne, %sign3A_10, %ne3A : vector<32x1xi32>
    %rem3A = vector.broadcast %jit3A : i32 to vector<32x1xi32>
    %rem3A_19 = arith.remsi %iota3A, %rem3A : vector<32x1xi32>
    %ne3A_20 = arith.constant 0 : i32
    %ne3A_21 = vector.broadcast %ne3A_20 : i32 to vector<32x1xi32>
    %ne3A_22 = arith.cmpi ne, %rem3A_19, %ne3A_21 : vector<32x1xi32>
    %and3A = arith.andi %ne3A_18, %ne3A_22 : vector<32x1xi1>
    %sub3A = arith.constant 1 : i32
    %sub3A_23 = vector.broadcast %sub3A : i32 to vector<32x1xi32>
    %sub3A_24 = arith.subi %div3A_2, %sub3A_23 : vector<32x1xi32>
    %select_n3A = arith.select %and3A, %sub3A_24, %div3A_2 : vector<32x1xi1>, vector<32x1xi32>
    %eq3A = vector.broadcast %select_n3A : vector<32x1xi32> to vector<32x6xi32>
    %eq3A_25 = vector.broadcast %iota3A_0 : vector<1x6xi32> to vector<32x6xi32>
    %eq3A_26 = arith.cmpi eq, %eq3A, %eq3A_25 : vector<32x6xi32>
    %convert_element_type3A = arith.extui %eq3A_26 : vector<32x6xi1> to vector<32x6xi32>
    %convert_element_type3A_27 = arith.sitofp %convert_element_type3A : vector<32x6xi32> to vector<32x6xf32>
    %jit3A_28 = arith.constant 3 : i32
    %eq3A_29 = arith.constant 0 : i32
    %eq3A_30 = arith.cmpi eq, %jit3A_28, %eq3A_29 : i32
    %jit3A_31 = arith.constant 1 : i32
    %select_n3A_32 = arith.select %eq3A_30, %jit3A_31, %jit3A_28 : i32
    %rem3A_33 = vector.broadcast %select_n3A_32 : i32 to vector<32x1xi32>
    %rem3A_34 = arith.remsi %iota3A, %rem3A_33 : vector<32x1xi32>
    %ne3A_35 = arith.constant 0 : i32
    %ne3A_36 = vector.broadcast %ne3A_35 : i32 to vector<32x1xi32>
    %ne3A_37 = arith.cmpi ne, %rem3A_34, %ne3A_36 : vector<32x1xi32>
    %lt3A = arith.constant 0 : i32
    %lt3A_38 = vector.broadcast %lt3A : i32 to vector<32x1xi32>
    %lt3A_39 = arith.cmpi slt, %rem3A_34, %lt3A_38 : vector<32x1xi32>
    %lt3A_40 = arith.constant 0 : i32
    %lt3A_41 = arith.cmpi slt, %select_n3A_32, %lt3A_40 : i32
    %ne3A_42 = vector.broadcast %lt3A_41 : i1 to vector<32x1xi1>
    %ne3A_43 = vector.broadcast %ne3A_42 : vector<32x1xi1> to vector<32x1xi1>
    %ne3A_44 = arith.xori %lt3A_39, %ne3A_43 : vector<32x1xi1>
    %and3A_45 = arith.andi %ne3A_44, %ne3A_37 : vector<32x1xi1>
    %add3A = vector.broadcast %select_n3A_32 : i32 to vector<32x1xi32>
    %add3A_46 = arith.addi %rem3A_34, %add3A : vector<32x1xi32>
    %select_n3A_47 = arith.select %and3A_45, %add3A_46, %rem3A_34 : vector<32x1xi1>, vector<32x1xi32>
    %eq3A_48 = vector.broadcast %select_n3A_47 : vector<32x1xi32> to vector<32x3xi32>
    %eq3A_49 = vector.broadcast %iota3A_1 : vector<1x3xi32> to vector<32x3xi32>
    %eq3A_50 = arith.cmpi eq, %eq3A_48, %eq3A_49 : vector<32x3xi32>
    %lt3A_51 = arith.constant 18 : i32
    %lt3A_52 = vector.broadcast %lt3A_51 : i32 to vector<32x1xi32>
    %lt3A_53 = arith.cmpi slt, %iota3A, %lt3A_52 : vector<32x1xi32>
    %and3A_54 = vector.broadcast %lt3A_53 : vector<32x1xi1> to vector<32x3xi1>
    %and3A_55 = arith.andi %eq3A_50, %and3A_54 : vector<32x3xi1>
    %convert_element_type3A_56 = arith.extui %and3A_55 : vector<32x3xi1> to vector<32x3xi32>
    %convert_element_type3A_57 = arith.sitofp %convert_element_type3A_56 : vector<32x3xi32> to vector<32x3xf32>
    %get3A = arith.constant 0 : index
    %get3A_58 = arith.constant 0 : index
    %get3A_59 = vector.load %arg0[%get3A, %get3A_58] : memref<6x128xf32, #tpu.memory_space<vmem>>, vector<6x128xf32>
    %dot_general3A = arith.constant dense<0.000000e+00> : vector<32x128xf32>
    %dot_general3A_60 = tpu.matmul %convert_element_type3A_27, %get3A_59, %dot_general3A {dimension_numbers = #tpu.dot_dimension_numbers<[1], [0], [0], [1], [0, 0, 1, 1], [], []>, transpose_lhs_hint = false} : vector<32x6xf32>, vector<6x128xf32>, vector<32x128xf32> -> vector<32x128xf32>
    %get3A_61 = arith.constant 0 : index
    %get3A_62 = arith.constant 0 : index
    %get3A_63 = vector.load %arg1[%get3A_61, %get3A_62] : memref<3x128xf32, #tpu.memory_space<vmem>>, vector<3x128xf32>
    %dot_general3A_64 = arith.constant dense<0.000000e+00> : vector<32x128xf32>
    %dot_general3A_65 = tpu.matmul %convert_element_type3A_57, %get3A_63, %dot_general3A_64 {dimension_numbers = #tpu.dot_dimension_numbers<[1], [0], [0], [1], [0, 0, 1, 1], [], []>, transpose_lhs_hint = false} : vector<32x3xf32>, vector<3x128xf32>, vector<32x128xf32> -> vector<32x128xf32>
    %add3A_66 = arith.addf %dot_general3A_60, %dot_general3A_65 : vector<32x128xf32>
    %swap3A = arith.constant 0 : index
    %swap3A_67 = arith.constant 0 : index
    %swap3A_68 = vector.load %arg2[%swap3A, %swap3A_67] : memref<32x128xf32, #tpu.memory_space<vmem>>, vector<32x128xf32>
    tpu.vector_store %arg2[%swap3A, %swap3A_67], %add3A_66 {strides = array<i32>} : memref<32x128xf32, #tpu.memory_space<vmem>>, vector<32x128xf32>,
    return
  }
}

module attributes {stable_mosaic.version = 14 : i64} {
  func.func @_mlp_body(%arg0: i32, %arg1: memref<1000x128xf32, #tpu.memory_space<vmem>>, %arg2: memref<1000x128xf32, #tpu.memory_space<vmem>>, %arg3: memref<1000x128xf32, #tpu.memory_space<vmem>>, %arg4: memref<32x128xf32, #tpu.memory_space<vmem>>, %arg5: memref<128x256xf32, #tpu.memory_space<vmem>>, %arg6: memref<1x256xf32, #tpu.memory_space<vmem>>, %arg7: memref<256x128xf32, #tpu.memory_space<vmem>>, %arg8: memref<1x128xf32, #tpu.memory_space<vmem>>, %arg9: memref<1000x128xf32, #tpu.memory_space<vmem>>) attributes {dimension_semantics = [#tpu.dimension_semantics<arbitrary>], iteration_bounds = array<i64: 10>, scalar_prefetch = 0 : i64, scratch_operands = 0 : i64, tpu.core_type = #tpu.core_type<tc>, window_params = [{transform_indices = @transform_0, window_bounds = array<i64: 1000, 128>}, {transform_indices = @transform_1, window_bounds = array<i64: 1000, 128>}, {transform_indices = @transform_2, window_bounds = array<i64: 1000, 128>}, {pipeline_mode = #tpu.pipeline_mode<synchronous>, transform_indices = @transform_3, window_bounds = array<i64: 32, 128>}, {pipeline_mode = #tpu.pipeline_mode<synchronous>, transform_indices = @transform_4, window_bounds = array<i64: 128, 256>}, {pipeline_mode = #tpu.pipeline_mode<synchronous>, transform_indices = @transform_5, window_bounds = array<i64: 1, 256>}, {pipeline_mode = #tpu.pipeline_mode<synchronous>, transform_indices = @transform_6, window_bounds = array<i64: 256, 128>}, {pipeline_mode = #tpu.pipeline_mode<synchronous>, transform_indices = @transform_7, window_bounds = array<i64: 1, 128>}, {transform_indices = @transform_8, window_bounds = array<i64: 1000, 128>}]} {
    %get3A = arith.constant 12 : index
    %get3A_0 = arith.constant 0 : index
    %get3A_1 = vector.load %arg4[%get3A, %get3A_0] : memref<32x128xf32, #tpu.memory_space<vmem>>, vector<1x128xf32>
    %get3A_2 = arith.constant 0 : index
    %get3A_3 = arith.constant 0 : index
    %get3A_4 = vector.load %arg1[%get3A_2, %get3A_3] : memref<1000x128xf32, #tpu.memory_space<vmem>>, vector<1000x128xf32>
    %get3A_5 = arith.constant 0 : index
    %get3A_6 = arith.constant 0 : index
    %get3A_7 = vector.load %arg2[%get3A_5, %get3A_6] : memref<1000x128xf32, #tpu.memory_space<vmem>>, vector<1000x128xf32>
    %add3A = arith.addf %get3A_4, %get3A_7 : vector<1000x128xf32>
    %get3A_8 = arith.constant 0 : index
    %get3A_9 = arith.constant 0 : index
    %get3A_10 = vector.load %arg3[%get3A_8, %get3A_9] : memref<1000x128xf32, #tpu.memory_space<vmem>>, vector<1000x128xf32>
    %add3A_11 = arith.addf %add3A, %get3A_10 : vector<1000x128xf32>
    %add3A_12 = vector.broadcast %get3A_1 : vector<1x128xf32> to vector<1000x128xf32>
    %add3A_13 = arith.addf %add3A_11, %add3A_12 : vector<1000x128xf32>
    %get3A_14 = arith.constant 0 : index
    %get3A_15 = arith.constant 0 : index
    %get3A_16 = vector.load %arg5[%get3A_14, %get3A_15] : memref<128x256xf32, #tpu.memory_space<vmem>>, vector<128x256xf32>
    %dot_general3A = arith.constant dense<0.000000e+00> : vector<1000x256xf32>
    %dot_general3A_17 = tpu.matmul %add3A_13, %get3A_16, %dot_general3A {dimension_numbers = #tpu.dot_dimension_numbers<[1], [0], [0], [1], [0, 0, 1, 1], [], []>, transpose_lhs_hint = false} : vector<1000x128xf32>, vector<128x256xf32>, vector<1000x256xf32> -> vector<1000x256xf32>
    %get3A_18 = arith.constant 0 : index
    %get3A_19 = arith.constant 0 : index
    %get3A_20 = vector.load %arg6[%get3A_18, %get3A_19] : memref<1x256xf32, #tpu.memory_space<vmem>>, vector<1x256xf32>
    %add3A_21 = vector.broadcast %get3A_20 : vector<1x256xf32> to vector<1000x256xf32>
    %add3A_22 = arith.addf %dot_general3A_17, %add3A_21 : vector<1000x256xf32>
    %max3A = arith.constant 0.000000e+00 : f32
    %max3A_23 = vector.broadcast %max3A : f32 to vector<1000x256xf32>
    %max3A_24 = arith.maximumf %add3A_22, %max3A_23 : vector<1000x256xf32>
    %get3A_25 = arith.constant 0 : index
    %get3A_26 = arith.constant 0 : index
    %get3A_27 = vector.load %arg7[%get3A_25, %get3A_26] : memref<256x128xf32, #tpu.memory_space<vmem>>, vector<256x128xf32>
    %dot_general3A_28 = arith.constant dense<0.000000e+00> : vector<1000x128xf32>
    %dot_general3A_29 = tpu.matmul %max3A_24, %get3A_27, %dot_general3A_28 {dimension_numbers = #tpu.dot_dimension_numbers<[1], [0], [0], [1], [0, 0, 1, 1], [], []>, transpose_lhs_hint = false} : vector<1000x256xf32>, vector<256x128xf32>, vector<1000x128xf32> -> vector<1000x128xf32>
    %get3A_30 = arith.constant 0 : index
    %get3A_31 = arith.constant 0 : index
    %get3A_32 = vector.load %arg8[%get3A_30, %get3A_31] : memref<1x128xf32, #tpu.memory_space<vmem>>, vector<1x128xf32>
    %add3A_33 = vector.broadcast %get3A_32 : vector<1x128xf32> to vector<1000x128xf32>
    %add3A_34 = arith.addf %dot_general3A_29, %add3A_33 : vector<1000x128xf32>
    %swap3A = arith.constant 0 : index
    %swap3A_35 = arith.constant 0 : index
    %swap3A_36 = vector.load %arg9[%swap3A, %swap3A_35] : memref<1000x128xf32, #tpu.memory_space<vmem>>, vector<1000x128xf32>
    tpu.vector_store %arg9[%swap3A, %swap3A_35], %add3A_34 {strides = array<i32>} : memref<1000x128xf32, #tpu.memory_space<vmem>>, vector<1000x128xf32>,
    return
  }
  func.func @transform_0(%arg0: i32) -> (i32, i32) {
    %c0_i32 = arith.constant 0 : i32
    %c0_i32_0 = arith.constant 0 : i32
    return %arg0, %c0_i32 : i32, i32
  }
  func.func @transform_1(%arg0: i32) -> (i32, i32) {
    %c0_i32 = arith.constant 0 : i32
    %c0_i32_0 = arith.constant 0 : i32
    return %arg0, %c0_i32 : i32, i32
  }
  func.func @transform_2(%arg0: i32) -> (i32, i32) {
    %c0_i32 = arith.constant 0 : i32
    %c0_i32_0 = arith.constant 0 : i32
    return %arg0, %c0_i32 : i32, i32
  }
  func.func @transform_3(%arg0: i32) -> (i32, i32) {
    %c0_i32 = arith.constant 0 : i32
    %c0_i32_0 = arith.constant 0 : i32
    %c0_i32_1 = arith.constant 0 : i32
    return %c0_i32, %c0_i32_0 : i32, i32
  }
  func.func @transform_4(%arg0: i32) -> (i32, i32) {
    %c0_i32 = arith.constant 0 : i32
    %c0_i32_0 = arith.constant 0 : i32
    %c0_i32_1 = arith.constant 0 : i32
    return %c0_i32, %c0_i32_0 : i32, i32
  }
  func.func @transform_5(%arg0: i32) -> (i32, i32) {
    %c0_i32 = arith.constant 0 : i32
    %c0_i32_0 = arith.constant 0 : i32
    %c0_i32_1 = arith.constant 0 : i32
    return %c0_i32, %c0_i32_0 : i32, i32
  }
  func.func @transform_6(%arg0: i32) -> (i32, i32) {
    %c0_i32 = arith.constant 0 : i32
    %c0_i32_0 = arith.constant 0 : i32
    %c0_i32_1 = arith.constant 0 : i32
    return %c0_i32, %c0_i32_0 : i32, i32
  }
  func.func @transform_7(%arg0: i32) -> (i32, i32) {
    %c0_i32 = arith.constant 0 : i32
    %c0_i32_0 = arith.constant 0 : i32
    %c0_i32_1 = arith.constant 0 : i32
    return %c0_i32, %c0_i32_0 : i32, i32
  }
  func.func @transform_8(%arg0: i32) -> (i32, i32) {
    %c0_i32 = arith.constant 0 : i32
    %c0_i32_0 = arith.constant 0 : i32
    return %arg0, %c0_i32 : i32, i32
  }
}

</mosaic_0001>

<sc_bundles>
// kernel: kernel.5.cloned.1.call-start
scs
__scs_entry_jumppad:
0x0: {  	(pc) =	sbr.rel $0x88, $3  }
0x1: {  	(tag) =	ssettag $0x0;
	lr =	simm.s32 $0x1  }
0x2: {  	[smem:$0x3F98] =	sst lr;
	_ =	strace $0xD0000000  }
0x3: {  	_ = 	snop  }
0x4: {  	_ = 	snop  }
0x5: {  	_ = 	snop  }
0x6: {  	_ = 	snop  }
0x7: {  	_ = 	snop  }
__scs_overlays_trampoline_lowered:
0x8: {  	[smem:$0x3FA7] =	sst s0  }
0x9: {  	[smem:$0x3FA8] =	sst s1  }
0xa: {  	[smem:$0x3FA9] =	sst s2  }
0xb: {  	[smem:$0x3FAA] =	sst s3  }
0xc: {  	[smem:$0x3FAB] =	sst s4  }
0xd: {  	[smem:$0x3FAC] =	sst s5  }
0xe: {  	[smem:$0x3FAD] =	sst s6  }
0xf: {  	[smem:$0x3FAE] =	sst s7  }
0x10: {  	[smem:$0x3FAF] =	sst s8  }
0x11: {  	[smem:$0x3FB0] =	sst s9;
	s0 =	simm.s32 @!p0 $0x0  }
0x12: {  	s1 =	sld [smem:$0x3F96];
	s0 =	simm.s32 @p0 $0x1  }
0x13: {  	[smem:$0x3FB1] =	sst s0;
	s0 =	simm.s32 @!p1 $0x0  }
0x14: {  	s2 =	sld [smem:$0x3F95];
	s0 =	simm.s32 @p1 $0x1  }
0x15: {  	[smem:$0x3FB2] =	sst s0;
	s0 =	simm.s32 @!p2 $0x0  }
0x16: {  	s3 =	sld [smem:$0x3FDB];
	s0 =	simm.s32 @p2 $0x1  }
0x17: {  	s4 =	simm.s32 $0x1BF5;
	[smem:$0x3FB4] =	sst s0  }
0x18: {  	s0 =	sld [smem:$0x3F97];
	_ =	swait.ge [sflag:s4], $0x0  }
0x19: {  	s7 =	sld [smem:$0x3F98]  }
0x1a: {  	s8 =	sadd.s32 $0xFFFFE003, lr  }
0x1b: {  	s9 =	sadd.s32 $0xFFFFFEF7, lr;
	s5 =	simm.s32 $0xFFFFFFFF;
	p2 =	slt.u32 s8, $0xFFFFF086  }
0x1c: {  	p1 =	slt.u32 s9, $0xF7A;
	s5 =	simm.s32 @!p2 $0x0  }
0x1d: {  	s5 =	simm.s32 @p1 $0x1;
	p0 =	seq.s32 s7, s2  }
0x1e: {  	s7 =	smul.u32 @!p0 $0xF7A, s2;
	p2 =	seq.s32 @!p0 s5, $0x0  }
0x1f: {  	s9 =	smul.u32 $0xF7A, s1;
	s8 =	simm.s32 @!p0 $0x1BF5;
	p2 =	por !p2, p0  }
0x20: {  	[sflag:s8] =	ssyncset.s32 @!p0 $0xFFFFF086;
	s6 =	sadd.s32 @!p0 s3, s7;
	s7 =	simm.s32 @!p0 $0x108  }
0x21: {  	s3 =	sadd.s32 s3, s9;
	s6 =	sadd.s32 @!p0 $0x88, s6;
	s7 =	simm.s32 @p2 $0x1082  }
0x22: {  	[simem:s7], [sflag:s8] =	dma.local @!p0 [hbm:s6], $0xF7A  }
0x23: {  	s9 =	sor.u32 $0xD0000000, s2;
	s6 =	simm.s32 $0x108;
	_ =	swait.ge @!p0 [sflag:s8], $0x0  }
0x24: {  	s3 =	sadd.s32 $0x88, s3;
	s6 =	simm.s32 @!p1 $0x1082;
	[sflag:s4] =	ssyncset.s32 $0xFFFFF086  }
0x25: {  	[simem:s6], [sflag:s4] =	dma.local [hbm:s3], $0xF7A  }
0x26: {  	[smem:$0x3F98] =	sst s1;
	(tag) =	ssettag s2;
	_ =	strace s9  }
0x27: {  	s1 =	sld [smem:$0x3FA8]  }
0x28: {  	s2 =	sld [smem:$0x3FA9]  }
0x29: {  	s4 =	sld [smem:$0x3FAB]  }
0x2a: {  	p0 =	seq.s32 s5, $0x0;
	s5 =	sld [smem:$0x3FAC]  }
0x2b: {  	s6 =	sld [smem:$0x3FAD]  }
0x2c: {  	s7 =	sld [smem:$0x3FAE]  }
0x2d: {  	s3 =	simm.s32 $0x108;
	s8 =	sld [smem:$0x3FAF]  }
0x2e: {  	s3 =	simm.s32 @!p0 $0x1082;
	s9 =	sld [smem:$0x3FB0]  }
0x2f: {  	lr =	sadd.s32 s0, s3;
	s0 =	sld [smem:$0x3FA7]  }
0x30: {  	s3 =	sld [smem:$0x3FAA]  }
0x31: {  	[smem:$0x3FB3] =	sst s10  }
0x32: {  	s10 =	sld [smem:$0x3FB1];
	_ =	sdelay $0x3  }
0x33: {  	p0 =	seq.s32 s10, $0x1;
	s10 =	sld [smem:$0x3FB3];
	_ =	sdelay $0x3  }
0x34: {  	[smem:$0x3FB3] =	sst s10  }
0x35: {  	s10 =	sld [smem:$0x3FB2];
	_ =	sdelay $0x3  }
0x36: {  	p1 =	seq.s32 s10, $0x1;
	s10 =	sld [smem:$0x3FB3];
	_ =	sdelay $0x3  }
0x37: {  	[smem:$0x3FB3] =	sst s10  }
0x38: {  	s10 =	sld [smem:$0x3FB4]  }
0x39: {  	_ = 	snop;
	(pc) =	sbr.ind lr, $3  }
0x3a: {  	_ = 	snop  }
0x3b: {  	_ = 	snop  }
0x3c: {  	p2 =	seq.s32 s10, $0x1;
	s10 =	sld [smem:$0x3FB3]  }
0x3d: {  	_ =	shalt  }
0x3e: {  	_ =	shalt  }
0x3f: {  	_ =	shalt  }
0x40: {  	_ =	shalt  }
0x41: {  	_ =	shalt  }
0x42: {  	_ =	shalt  }
0x43: {  	_ =	shalt  }
0x44: {  	_ =	shalt  }
0x45: {  	_ =	shalt  }
0x46: {  	_ =	shalt  }
0x47: {  	_ =	shalt  }
0x48: {  	_ =	shalt  }
0x49: {  	_ =	shalt  }
0x4a: {  	_ =	shalt  }
0x4b: {  	_ =	shalt  }
0x4c: {  	_ =	shalt  }
0x4d: {  	_ =	shalt  }
0x4e: {  	_ =	shalt  }
0x4f: {  	_ =	shalt  }
0x50: {  	_ =	shalt  }
0x51: {  	_ =	shalt  }
0x52: {  	_ =	shalt  }
0x53: {  	_ =	shalt  }
0x54: {  	_ =	shalt  }
0x55: {  	_ =	shalt  }
0x56: {  	_ =	shalt  }
0x57: {  	_ =	shalt  }
0x58: {  	_ =	shalt  }
0x59: {  	_ =	shalt  }
0x5a: {  	_ =	shalt  }
0x5b: {  	_ =	shalt  }
0x5c: {  	_ =	shalt  }
0x5d: {  	_ =	shalt  }
0x5e: {  	_ =	shalt  }
0x5f: {  	_ =	shalt  }
0x60: {  	_ =	shalt  }
0x61: {  	_ =	shalt  }
0x62: {  	_ =	shalt  }
0x63: {  	_ =	shalt  }
0x64: {  	_ =	shalt  }
0x65: {  	_ =	shalt  }
0x66: {  	_ =	shalt  }
0x67: {  	_ =	shalt  }
0x68: {  	_ =	shalt  }
0x69: {  	_ =	shalt  }
0x6a: {  	_ =	shalt  }
0x6b: {  	_ =	shalt  }
0x6c: {  	_ =	shalt  }
0x6d: {  	_ =	shalt  }
0x6e: {  	_ =	shalt  }
0x6f: {  	_ =	shalt  }
0x70: {  	_ =	shalt  }
0x71: {  	_ =	shalt  }
0x72: {  	_ =	shalt  }
0x73: {  	_ =	shalt  }
0x74: {  	_ =	shalt  }
0x75: {  	_ =	shalt  }
0x76: {  	_ =	shalt  }
0x77: {  	_ =	shalt  }
0x78: {  	_ =	shalt  }
0x79: {  	_ =	shalt  }
0x7a: {  	_ =	shalt  }
0x7b: {  	_ =	shalt  }
0x7c: {  	_ =	shalt  }
0x7d: {  	_ =	shalt  }
0x7e: {  	_ =	shalt  }
0x7f: {  	_ =	shalt  }
0x80: {  	_ =	shalt  }
0x81: {  	_ =	shalt  }
0x82: {  	_ =	shalt  }
0x83: {  	_ =	shalt  }
0x84: {  	_ =	shalt  }
0x85: {  	_ =	shalt  }
0x86: {  	_ =	shalt  }
0x87: {  	_ =	shalt  }
.Lfunc_end0:
.L_simem_size_0:
called_computation_lowered:
.L_overlay_start_0:
0x88: {  	s2 =	sld [smem:$0x3FD9]  }
0x89: {  	s3 =	sld [smem:$0x3FFE];
	_ =	sdelay $0x1  }
0x8a: {  	s1 =	srdreg.scid  }
0x8b: {  	s0 =	sand.u32 $0x1, s1  }
0x8c: {  	s17 =	sshll.u32 s0, $0xA;
	s2 =	sadd.s32 s3, s2  }
0x8d: {  	s2 =	sadd.s32 s2, s17  }
0x8e: {  	[smem:$0x3FBF] =	sst s2  }
0x8f: {  	_ = 	snop  }
0x90: {  	s2 =	sld [smem:$0x3FC9]  }
0x91: {  	s18 =	sld [smem:$0x3FD0];
	(tm) =	ssettm $0x1  }
0x92: {  	s4 =	sld [smem:$0x3FFB];
	_ =	sdelay $0x3  }
0x93: {  	_ =	strace s4  }
0x94: {  	s4 =	sld [smem:$0x3FFC];
	_ =	sdelay $0x3  }
0x95: {  	_ =	strace s4  }
0x96: {  	s4 =	sld [smem:$0x3FFD];
	_ =	sdelay $0x3  }
0x97: {  	_ =	strace s4  }
0x98: {  	_ =	strace $0x8FFFFFFF  }
0x99: {  	s19 =	sld [smem:$0x3FDB];
	_ =	sdelay $0x1  }
0x9a: {  	s5 =	simm.s32 $_scs_section_size  }
0x9b: {  	s6 =	simm.s32 $_size__tile_overlayer_lowered;
	s7 =	simm.s32 $_tile_overlayer_lowered  }
0x9c: {  	s22 =	simm.s32 $0x1BFF;
	s21 =	sshll.u32 s7, $0x1;
	s4 =	sadd.s32 s5, s19  }
0x9d: {  	s8 =	simm.s32 $0x0;
	s20 =	sshll.u32 s6, $0x1;
	s6 =	sadd.s32 s21, s4  }
0x9e: {  	[timem:s8], [sflag:s22] =	dma.local [hbm:s6], s20  }
0x9f: {  	_ =	swait.ge [sflag:s22], s20  }
0xa0: {  	s5 =	ssub.s32 $0x0, s20;
	[sflag:s22] =	ssyncset.done $0x0  }
0xa1: {  	[sflag:s22] =	ssyncadd.s32 s5;
	_ =	sdelay $0x1  }
0xa2: {  	s23 =	simm.s32 $0x1B8B  }
0xa3: {  	_ =	swait.ge [sflag:s23], $0x1  }
0xa4: {  	[sflag:s23] =	ssyncset.done $0x0  }
0xa5: {  	s25 =	simm.s32 $0x1B8E;
	s24 =	sld [smem:$0x3FFE];
	[sflag:s23] =	ssyncadd.s32 $0xFFFFFFFF  }
0xa6: {  	s26 =	simm.s32 $execute0_lowered;
	[smem:$0x3FD2] =	sst s25  }
0xa7: {  	s6 =	sshll.u32 s26, $0x1;
	_ =	strace $0x80000046;
	[dreg:$0x1] =	wrdreg $0xFFFFFFFF  }
0xa8: {  	s28 =	simm.s32 $_size_execute0_lowered;
	s4 =	sadd.s32 s4, s6;
	[dreg:$0x0] =	wrdreg $0x0  }
0xa9: {  	s6 =	sshll.u32 s28, $0x1;
	[dreg:$0x2] =	wrdreg s4  }
0xaa: {  	[dreg:$0x3] =	wrdreg s6  }
0xab: {  	[dreg:$0x4] =	wrdreg $0xC0  }
0xac: {  	_ =	task [dreg:s8], $0x5FFFF  }
0xad: {  	[dreg:$0x1] =	wrdreg $0xFFFFFFFF  }
0xae: {  	[dreg:$0x0] =	wrdreg $0x60  }
0xaf: {  	[dreg:$0x2] =	wrdreg s2  }
0xb0: {  	[dreg:$0x3] =	wrdreg s18  }
0xb1: {  	[dreg:$0x4] =	wrdreg s24  }
0xb2: {  	[dreg:$0x5] =	wrdreg $0x86000  }
0xb3: {  	[dreg:$0x6] =	wrdreg $0x9  }
0xb4: {  	_ =	task.clear_ibuf [dreg:s8], $0x7FFFF;
	_ =	strace $0x90000046  }
0xb5: {  	s29 =	simm.s32 $0x9;
	_ =	strace $0x80000048  }
0xb6: {  	_ =	swait.ge [sflag:s29], $0x1  }
0xb7: {  	[sflag:s29] =	ssyncadd.s32 $0xFFFFFFFF  }
0xb8: {  	_ =	strace $0x90000048  }
0xb9: {  	_ =	sfence  }
0xba: {  	s30 =	sld [smem:$0x0];
	_ =	sdelay $0x2  }
0xbb: {  	s31 =	sshll.u32 s1, $0xD;
	s1 =	sshrl.u32 s1, $0x2  }
0xbc: {  	s3 =	sand.u32 $0x4000, s31;
	s1 =	sadd.s32 s1, s30  }
0xbd: {  	s0 =	sor.u32 s3, s0;
	s1 =	sshll.u32 s1, $0x11  }
0xbe: {  	s0 =	sor.u32 s1, s0  }
0xbf: {  	s0 =	sadd.s32 $0x8F2B, s0  }
0xc0: {  	[sflag:s0] =	ssyncadd.remote.s32 $0x1  }
0xc1: {  	_ =	sfence.sel $0xFFFF  }
0xc2: {  	[dreg:$0x0] =	wrdreg $0xFFFFFFFF;
	(pc) =	sbr.abs _section_cstart, $3  }
0xc3: {  	[dreg:$0x1] =	wrdreg $0xFFFFFFFF  }
0xc4: {  	_ =	task.clear_ibuf [dreg:s8], $0x2FFFF;
	_ =	strace $0x9FFFFFFF  }
0xc5: {  	(tm) =	ssettm $0x7FFFFFFF  }
tec
execute0_lowered:
.L_overlay_start_1:
0x0: {  	(tag) =	ssettag $0x1  }
0x1: {  	s1 =	rddreg [dreg:$0x0]  }
0x2: {  	s2 =	rddreg [dreg:$0x1]  }
0x3: {  	s0 =	rddreg [dreg:$0x2]  }
0x4: {  	s3 =	rddreg [dreg:$0x3];
	s4 =	srdreg.scid  }
0x5: {  	s25 =	simm.s32 $0x0;
	s14 =	stileid.u32;
	s30 =	simm.s32 $0x9  }
0x6: {  	s28 =	simm.s32 $0x4;
	s29 =	simm.s32 $0x6600;
	s10 =	smul.u32 $0x14000, s14  }
0x7: {  	s31 =	simm.s32 $0x6;
	s4 =	sand.u32 $0x1, s4;
	s12 =	smul.u32 $0x50000, s14  }
0x8: {  	[smem:$0x7FF] =	sst s25;
	s6 =	sadd.s32 $0x14E00, s0;
	s9 =	smul.u32 $0x140000, s4  }
0x9: {  	s7 =	sadd.s32 $0xE00, s0;
	s20 =	sshll.u32 s4, $0x4;
	s11 =	ssub.s32 $0x2, s4  }
0xa: {  	s13 =	sshrl.u32 s11, $0x1;
	s22 =	sshrl.u32 s12, $0x2;
	s9 =	sadd.s32 s10, s9  }
0xb: {  	s10 =	sor.u32 s14, s20;
	s21 =	ssub.s32 s11, s13;
	s20 =	sadd.s32 s22, s3  }
0xc: {  	_ =	strace $0x80000047;
	s12 =	smax.u32 s21, $0x1;
	[dreg:$0x5] =	wrdreg s20  }
0xd: {  	s8 =	sadd.s32 $0x28E00, s0;
	s13 =	sadd.s32 $0x2000, s20;
	[dreg:$0xd] =	wrdreg s12  }
0xe: {  	s18 =	smul.u32 $0xA00, s14;
	s16 =	sadd.s32 $0x4000, s20;
	[dreg:$0xe] =	wrdreg s13  }
0xf: {  	s15 =	smul.u32 $0xA000, s4;
	s17 =	sadd.s32 $0x6000, s20;
	[dreg:$0xf] =	wrdreg s16  }
0x10: {  	s4 =	simm.s32 $0x0;
	s19 =	sadd.s32 $0x8000, s20;
	[dreg:$0x10] =	wrdreg s17  }
0x11: {  	s9 =	sshrl.u32 s9, $0x3;
	s21 =	sadd.s32 $0xA000, s20;
	[dreg:$0x11] =	wrdreg s19  }
0x12: {  	s10 =	smul.u32 $0xA00, s10;
	s22 =	sadd.s32 $0xC000, s20;
	[dreg:$0x12] =	wrdreg s21  }
0x13: {  	s14 =	simm.s32 $0x2600;
	s0 =	sadd.s32 s9, s0;
	[dreg:$0x13] =	wrdreg s22  }
0x14: {  	s22 =	simm.s32 $0x200;
	s12 =	simm.s32 $0x40;
	s23 =	sadd.s32 s2, s10  }
0x15: {  	s24 =	sor.u32 $0x10, s10;
	s0 =	sadd.s32 $0x68E00, s0;
	[dreg:$0x6] =	wrdreg s23  }
0x16: {  	s13 =	simm.s32 $0x600;
	s26 =	sadd.s32 s2, s24;
	[dreg:$0xc] =	wrdreg s0  }
0x17: {  	s17 =	simm.s32 $0x1;
	s2 =	sadd.s32 s6, s10;
	[dreg:$0x7] =	wrdreg s26  }
0x18: {  	s19 =	simm.s32 $0x3;
	s5 =	sadd.s32 s6, s24;
	[dreg:$0x8] =	wrdreg s2  }
0x19: {  	s16 =	simm.s32 $0x0;
	s10 =	sadd.s32 s7, s10;
	[dreg:$0x9] =	wrdreg s5  }
0x1a: {  	s9 =	simm.s32 $0x5;
	s11 =	sadd.s32 s7, s24;
	[dreg:$0xa] =	wrdreg s10  }
.Ltmp0:
0x1b: {  	s0 =	sadd.s32 s18, s15;
	[dreg:$0xb] =	wrdreg s11;
	(pc) =	sbr.rel .LBB2_1-.Ltmp0, $4  }
0x1c: {  	s23 =	sadd.s32 $0xE000, s20;
	s24 =	sadd.s32 $0x10000, s20;
	[dreg:$0x17] =	wrdreg s0  }
0x1d: {  	s15 =	simm.s32 $0x4600;
	s18 =	simm.s32 $0x2;
	[dreg:$0x14] =	wrdreg s23  }
0x1e: {  	[dreg:$0x15] =	wrdreg s24;
	s26 =	sadd.s32 $0x12000, s20;
	s5 =	simm.s32 $0x4600  }
0x1f: {  	v0 =	vimm.f32 $0.0e+00;
	s10 =	simm.s32 $0x7;
	s23 =	simm.s32 $0x8;
	[dreg:$0x16] =	wrdreg s26  }
.LBB2_6:
0x20: {  	s0 =	stileid.u32;
	[bflag:$0x0] =	sbarrier.arrive $0xFFFF  }
0x21: {  	s0 =	sshll.u32 s0, $0x6;
	s20 =	rddreg [dreg:$0x5]  }
0x22: {  	s11 =	rddreg [dreg:$0xc];
	s0 =	sor.u32 $0x1C09, s0;
	s4 =	sshrl.u32 s20, $0x3  }
0x23: {  	[hbm:s11], [sflag:s0] =	dma.local [spmem:s4], $0x2800  }
0x24: {  	_ =	swait.ge [sflag:s30], $0x2800  }
0x25: {  	s25 =	rddreg [dreg:$0x18]  }
0x26: {  	s26 =	rddreg [dreg:$0xd];
	s4 =	sadd.s32 $0x1, s25  }
0x27: {  	p0 =	sne.s32 s4, s26  }
.Ltmp1:
0x28: {  	_ = 	snop;
	(pc) =	sbr.rel @!p0 .LBB2_7-.Ltmp1, $4  }
0x29: {  	_ = 	snop  }
0x2a: {  	s1 =	smov.u32 s2  }
0x2b: {  	s13 =	simm.s32 $0x600;
	s14 =	simm.s32 $0x2600;
	[sflag:s30] =	ssyncset.done $0x0  }
0x2c: {  	s15 =	simm.s32 $0x4600;
	[sflag:s30] =	ssyncadd.s32 $0xFFFFD800;
	s25 =	simm.s32 $0x0  }
.LBB2_1:
0x2d: {  	[dreg:$0x18] =	wrdreg s4;
	s11 =	simm.s32 $0x0;
	s0 =	simm.s32 $0x200  }
.LBB2_2:
0x2e: {  	p0 =	sne.s32 s0, $0x7E00;
	[tilespmem:s11+$0x4670] =	vst v0  }
0x2f: {  	[tilespmem:s11+$0x4600] =	vst v0  }
0x30: {  	[tilespmem:s11+$0x4610] =	vst v0  }
.Ltmp2:
0x31: {  	[tilespmem:s11+$0x4620] =	vst v0;
	(pc) =	sbr.rel @p0 .LBB2_2-.Ltmp2, $4  }
0x32: {  	[tilespmem:s11+$0x4630] =	vst v0  }
0x33: {  	[tilespmem:s11+$0x4640] =	vst v0  }
0x34: {  	[tilespmem:s11+$0x4650] =	vst v0  }
0x35: {  	[tilespmem:s11+$0x4660] =	vst v0;
	s11 =	sshra.s32 s0, $0x2;
	s0 =	sadd.s32 $0x200, s0  }
0x36: {  	[tilespmem:s11+$0x4670] =	vst v0  }
0x37: {  	[tilespmem:s11+$0x4600] =	vst v0  }
0x38: {  	[tilespmem:s11+$0x4610] =	vst v0  }
0x39: {  	[tilespmem:s11+$0x4620] =	vst v0  }
0x3a: {  	[tilespmem:s11+$0x4630] =	vst v0  }
0x3b: {  	[tilespmem:s11+$0x4640] =	vst v0  }
0x3c: {  	[tilespmem:s11+$0x4650] =	vst v0  }
0x3d: {  	[tilespmem:s11+$0x4660] =	vst v0  }
0x3e: {  	[spmem:s20] =	stream.linear.scatter [tilespmem:s15], [sflag:$0x9], $0x2000, $0x38;
	[tilespmem:$0x1C600] =	vst v63  }
0x3f: {  	_ =	swait.ge [sflag:s30], $0x2000  }
0x40: {  	[sflag:s30] =	ssyncset.done $0x0  }
0x41: {  	s0 =	rddreg [dreg:$0xe];
	[sflag:s30] =	ssyncadd.s32 $0xFFFFE000  }
0x42: {  	[spmem:s0] =	stream.linear.scatter [tilespmem:s15], [sflag:$0x9], $0x2000, $0x38;
	[tilespmem:$0x1C600] =	vst v63  }
0x43: {  	_ =	swait.ge [sflag:s30], $0x2000  }
0x44: {  	[sflag:s30] =	ssyncset.done $0x0  }
0x45: {  	s21 =	rddreg [dreg:$0xf];
	[sflag:s30] =	ssyncadd.s32 $0xFFFFE000  }
0x46: {  	[spmem:s21] =	stream.linear.scatter [tilespmem:s15], [sflag:$0x9], $0x2000, $0x38;
	[tilespmem:$0x1C600] =	vst v63  }
0x47: {  	_ =	swait.ge [sflag:s30], $0x2000  }
0x48: {  	[sflag:s30] =	ssyncset.done $0x0  }
0x49: {  	s24 =	rddreg [dreg:$0x10];
	[sflag:s30] =	ssyncadd.s32 $0xFFFFE000  }
0x4a: {  	[spmem:s24] =	stream.linear.scatter [tilespmem:s15], [sflag:$0x9], $0x2000, $0x38;
	[tilespmem:$0x1C600] =	vst v63  }
0x4b: {  	_ =	swait.ge [sflag:s30], $0x2000  }
0x4c: {  	[sflag:s30] =	ssyncset.done $0x0  }
0x4d: {  	s26 =	rddreg [dreg:$0x11];
	[sflag:s30] =	ssyncadd.s32 $0xFFFFE000  }
0x4e: {  	[spmem:s26] =	stream.linear.scatter [tilespmem:s15], [sflag:$0x9], $0x2000, $0x38;
	[tilespmem:$0x1C600] =	vst v63  }
0x4f: {  	_ =	swait.ge [sflag:s30], $0x2000  }
0x50: {  	[sflag:s30] =	ssyncset.done $0x0  }
0x51: {  	s2 =	rddreg [dreg:$0x12];
	[sflag:s30] =	ssyncadd.s32 $0xFFFFE000  }
0x52: {  	[spmem:s2] =	stream.linear.scatter [tilespmem:s15], [sflag:$0x9], $0x2000, $0x38;
	[tilespmem:$0x1C600] =	vst v63  }
0x53: {  	_ =	swait.ge [sflag:s30], $0x2000  }
0x54: {  	[sflag:s30] =	ssyncset.done $0x0  }
0x55: {  	s4 =	rddreg [dreg:$0x13];
	[sflag:s30] =	ssyncadd.s32 $0xFFFFE000  }
0x56: {  	[spmem:s4] =	stream.linear.scatter [tilespmem:s15], [sflag:$0x9], $0x2000, $0x38;
	[tilespmem:$0x1C600] =	vst v63  }
0x57: {  	_ =	swait.ge [sflag:s30], $0x2000  }
0x58: {  	[sflag:s30] =	ssyncset.done $0x0  }
0x59: {  	s11 =	rddreg [dreg:$0x14];
	[sflag:s30] =	ssyncadd.s32 $0xFFFFE000  }
0x5a: {  	[spmem:s11] =	stream.linear.scatter [tilespmem:s15], [sflag:$0x9], $0x2000, $0x38;
	[tilespmem:$0x1C600] =	vst v63  }
0x5b: {  	_ =	swait.ge [sflag:s30], $0x2000  }
0x5c: {  	[sflag:s30] =	ssyncset.done $0x0  }
0x5d: {  	s20 =	rddreg [dreg:$0x15];
	[sflag:s30] =	ssyncadd.s32 $0xFFFFE000  }
0x5e: {  	[spmem:s20] =	stream.linear.scatter [tilespmem:s15], [sflag:$0x9], $0x2000, $0x38;
	[tilespmem:$0x1C600] =	vst v63  }
0x5f: {  	_ =	swait.ge [sflag:s30], $0x2000  }
0x60: {  	[sflag:s30] =	ssyncset.done $0x0  }
0x61: {  	s21 =	rddreg [dreg:$0x16];
	[sflag:s30] =	ssyncadd.s32 $0xFFFFE000  }
0x62: {  	[spmem:s21] =	stream.linear.scatter [tilespmem:s15], [sflag:$0x9], $0x2000, $0x38;
	[tilespmem:$0x1C600] =	vst v63  }
0x63: {  	_ =	swait.ge [sflag:s30], $0x2000  }
0x64: {  	[sflag:s30] =	ssyncset.done $0x0  }
0x65: {  	[sflag:s30] =	ssyncadd.s32 $0xFFFFE000  }
0x66: {  	[bflag:$0x0] =	sbarrier.arrive $0xFFFF  }
0x67: {  	s11 =	simm.s32 $0x0;
	s24 =	rddreg [dreg:$0x6]  }
0x68: {  	[tilespmem:s11], [sflag:$0x9] =	stream.linear.gather [hbm4b:s24+s11], $0x80, $0x38;
	[tilespmem:$0x1C600] =	vst v63  }
0x69: {  	_ =	swait.ge [sflag:s30], $0x80  }
0x6a: {  	[sflag:s30] =	ssyncset.done $0x0  }
0x6b: {  	s4 =	simm.s32 $0x80;
	s26 =	rddreg [dreg:$0x7];
	[sflag:s30] =	ssyncadd.s32 $0xFFFFFF80  }
0x6c: {  	[tilespmem:s4], [sflag:$0x9] =	stream.linear.gather [hbm4b:s26+s11], $0x80, $0x38;
	[tilespmem:$0x1C600] =	vst v63  }
0x6d: {  	_ =	swait.ge [sflag:s30], $0x80  }
0x6e: {  	[sflag:s30] =	ssyncset.done $0x0  }
0x6f: {  	s2 =	rddreg [dreg:$0x8];
	[sflag:s30] =	ssyncadd.s32 $0xFFFFFF80  }
0x70: {  	[tilespmem:s22], [sflag:$0x9] =	stream.linear.gather [hbm4b:s2+s11], $0x80, $0x38;
	[tilespmem:$0x1C600] =	vst v63  }
0x71: {  	_ =	swait.ge [sflag:s30], $0x80  }
0x72: {  	[sflag:s30] =	ssyncset.done $0x0  }
0x73: {  	s2 =	simm.s32 $0x280;
	s20 =	rddreg [dreg:$0x9];
	[sflag:s30] =	ssyncadd.s32 $0xFFFFFF80  }
0x74: {  	[tilespmem:s2], [sflag:$0x9] =	stream.linear.gather [hbm4b:s20+s11], $0x80, $0x38;
	[tilespmem:$0x1C600] =	vst v63  }
0x75: {  	_ =	swait.ge [sflag:s30], $0x80  }
0x76: {  	[sflag:s30] =	ssyncset.done $0x0  }
0x77: {  	s22 =	simm.s32 $0x400;
	s21 =	rddreg [dreg:$0xa];
	[sflag:s30] =	ssyncadd.s32 $0xFFFFFF80  }
0x78: {  	[tilespmem:s22], [sflag:$0x9] =	stream.linear.gather [hbm4b:s21+s11], $0x80, $0x38;
	[tilespmem:$0x1C600] =	vst v63  }
0x79: {  	_ =	swait.ge [sflag:s30], $0x80  }
0x7a: {  	[sflag:s30] =	ssyncset.done $0x0  }
0x7b: {  	s21 =	simm.s32 $0x480;
	s24 =	rddreg [dreg:$0xb];
	[sflag:s30] =	ssyncadd.s32 $0xFFFFFF80  }
0x7c: {  	[tilespmem:s21], [sflag:$0x9] =	stream.linear.gather [hbm4b:s24+s11], $0x80, $0x38;
	[tilespmem:$0x1C600] =	vst v63  }
0x7d: {  	_ =	swait.ge [sflag:s30], $0x80  }
0x7e: {  	[sflag:s30] =	ssyncset.done $0x0  }
0x7f: {  	[sflag:s30] =	ssyncadd.s32 $0xFFFFFF80  }
0x80: {  	[tilespmem:s13], [sflag:$0x1] =	stream.indirect.gather [hbm4b:s1+s12], $0x80, s11, s12, $0xb8;
	[tilespmem:$0x1C600] =	vst v63  }
0x81: {  	_ = 	snop  }
0x82: {  	[tilespmem:s14], [sflag:$0x2] =	stream.indirect.gather [hbm4b:s1+s12], $0x80, s4, s12, $0xb8;
	[tilespmem:$0x1C600] =	vst v63  }
0x83: {  	_ = 	snop  }
0x84: {  	[tilespmem:s15], [sflag:$0x3] =	stream.indirect.gather [hbm4b:s8+s12], $0x80, s22, s12, $0xb8;
	[tilespmem:$0x1C600] =	vst v63  }
0x85: {  	s26 =	simm.s32 $0x6600;
	s2 =	smov.u32 s1;
	s1 =	simm.s32 $0x6600  }
0x86: {  	[tilespmem:s26], [sflag:$0x4] =	stream.indirect.gather [hbm4b:s8+s12], $0x80, s21, s12, $0xb8;
	[tilespmem:$0x1C600] =	vst v63  }
.LBB2_4:
0x87: {  	_ =	swait.ge [sflag:s17], $0x2000  }
0x88: {  	[sflag:s17] =	ssyncset.done $0x0  }
0x89: {  	[sflag:s17] =	ssyncadd.s32 $0xFFFFE000  }
0x8a: {  	_ =	swait.ge [sflag:s18], $0x2000  }
0x8b: {  	[sflag:s18] =	ssyncset.done $0x0  }
0x8c: {  	[sflag:s18] =	ssyncadd.s32 $0xFFFFE000  }
0x8d: {  	_ =	swait.ge [sflag:s19], $0x2000  }
0x8e: {  	[sflag:s19] =	ssyncset.done $0x0  }
0x8f: {  	[sflag:s19] =	ssyncadd.s32 $0xFFFFE000  }
0x90: {  	_ =	swait.ge [sflag:s28], $0x2000  }
0x91: {  	[sflag:s28] =	ssyncset.done $0x0  }
0x92: {  	s0 =	simm.s32 $0x200;
	[sflag:s28] =	ssyncadd.s32 $0xFFFFE000  }
0x93: {  	[spmem:s3] =	stream.indirect.scatter.add.f32 [tilespmem:s13], [sflag:$0x5], $0x80, s0, s12, $0xb8;
	[tilespmem:$0x1C600] =	vst v63  }
0x94: {  	s4 =	simm.s32 $0x280;
	s13 =	rddreg [dreg:$0x17]  }
0x95: {  	[spmem:s3] =	stream.indirect.scatter.add.f32 [tilespmem:s14], [sflag:$0x6], $0x80, s4, s12, $0xb8;
	[tilespmem:$0x1C600] =	vst v63  }
0x96: {  	s21 =	sadd.s32 s11, s13  }
0x97: {  	[spmem:s3] =	stream.indirect.scatter.add.f32 [tilespmem:s15], [sflag:$0x7], $0x80, s0, s12, $0xb8;
	[tilespmem:$0x1C600] =	vst v63  }
0x98: {  	s24 =	sand.u32 $0x40, s11;
	s0 =	sand.u32 $0xFFFFF80, s21  }
0x99: {  	s0 =	sor.u32 s0, s24  }
0x9a: {  	[spmem:s3] =	stream.indirect.scatter.add.f32 [tilespmem:s1], [sflag:$0x8], $0x80, s4, s12, $0xb8;
	[tilespmem:$0x1C600] =	vst v63  }
0x9b: {  	s24 =	rddreg [dreg:$0x1];
	s4 =	sor.u32 $0x20, s0  }
0x9c: {  	s21 =	simm.s32 $0x100;
	s20 =	sadd.s32 s24, s4  }
0x9d: {  	[tilespmem:s21], [sflag:$0x9] =	stream.linear.gather [hbm4b:s20+s25], $0x80, $0x38;
	[tilespmem:$0x1C600] =	vst v63  }
0x9e: {  	_ =	swait.ge [sflag:s30], $0x80  }
0x9f: {  	s0 =	sor.u32 $0x30, s0;
	[sflag:s30] =	ssyncset.done $0x0  }
0xa0: {  	s26 =	sadd.s32 s24, s0;
	s25 =	simm.s32 $0x180;
	[sflag:s30] =	ssyncadd.s32 $0xFFFFFF80  }
0xa1: {  	[tilespmem:s25], [sflag:$0x9] =	stream.linear.gather [hbm4b:s26+s16], $0x80, $0x38;
	[tilespmem:$0x1C600] =	vst v63  }
0xa2: {  	_ =	swait.ge [sflag:s30], $0x80  }
0xa3: {  	[sflag:s30] =	ssyncset.done $0x0  }
0xa4: {  	s1 =	sadd.s32 s6, s4;
	s26 =	simm.s32 $0x300;
	[sflag:s30] =	ssyncadd.s32 $0xFFFFFF80  }
0xa5: {  	[tilespmem:s26], [sflag:$0x9] =	stream.linear.gather [hbm4b:s1+s16], $0x80, $0x38;
	[tilespmem:$0x1C600] =	vst v63  }
0xa6: {  	_ =	swait.ge [sflag:s30], $0x80  }
0xa7: {  	[sflag:s30] =	ssyncset.done $0x0  }
0xa8: {  	s20 =	sadd.s32 s6, s0;
	s1 =	simm.s32 $0x380;
	[sflag:s30] =	ssyncadd.s32 $0xFFFFFF80  }
0xa9: {  	[tilespmem:s1], [sflag:$0x9] =	stream.linear.gather [hbm4b:s20+s16], $0x80, $0x38;
	[tilespmem:$0x1C600] =	vst v63  }
0xaa: {  	_ =	swait.ge [sflag:s30], $0x80  }
0xab: {  	[sflag:s30] =	ssyncset.done $0x0  }
0xac: {  	s4 =	sadd.s32 s7, s4;
	s20 =	simm.s32 $0x500;
	[sflag:s30] =	ssyncadd.s32 $0xFFFFFF80  }
0xad: {  	[tilespmem:s20], [sflag:$0x9] =	stream.linear.gather [hbm4b:s4+s16], $0x80, $0x38;
	[tilespmem:$0x1C600] =	vst v63  }
0xae: {  	_ =	swait.ge [sflag:s30], $0x80  }
0xaf: {  	[sflag:s30] =	ssyncset.done $0x0  }
0xb0: {  	s0 =	sadd.s32 s7, s0;
	s4 =	simm.s32 $0x580;
	[sflag:s30] =	ssyncadd.s32 $0xFFFFFF80  }
0xb1: {  	[tilespmem:s4], [sflag:$0x9] =	stream.linear.gather [hbm4b:s0+s16], $0x80, $0x38;
	[tilespmem:$0x1C600] =	vst v63  }
0xb2: {  	_ =	swait.ge [sflag:s30], $0x80  }
0xb3: {  	[sflag:s30] =	ssyncset.done $0x0  }
0xb4: {  	[sflag:s30] =	ssyncadd.s32 $0xFFFFFF80  }
0xb5: {  	_ =	swait.ge [sflag:s9], $0x2000  }
0xb6: {  	[sflag:s9] =	ssyncset.done $0x0  }
0xb7: {  	[sflag:s9] =	ssyncadd.s32 $0xFFFFE000  }
0xb8: {  	_ =	swait.ge [sflag:s31], $0x2000  }
0xb9: {  	[sflag:s31] =	ssyncset.done $0x0  }
0xba: {  	[sflag:s31] =	ssyncadd.s32 $0xFFFFE000  }
0xbb: {  	_ =	swait.ge [sflag:s10], $0x2000  }
0xbc: {  	[sflag:s10] =	ssyncset.done $0x0  }
0xbd: {  	[sflag:s10] =	ssyncadd.s32 $0xFFFFE000  }
0xbe: {  	_ =	swait.ge [sflag:s23], $0x2000  }
0xbf: {  	[sflag:s23] =	ssyncset.done $0x0  }
0xc0: {  	s14 =	simm.s32 $0x600;
	[sflag:s23] =	ssyncadd.s32 $0xFFFFE000  }
0xc1: {  	[tilespmem:s14], [sflag:$0x1] =	stream.indirect.gather [hbm4b:s2+s12], $0x80, s21, s12, $0xb8;
	[tilespmem:$0x1C600] =	vst v63  }
0xc2: {  	s15 =	simm.s32 $0x2600  }
0xc3: {  	[tilespmem:s15], [sflag:$0x2] =	stream.indirect.gather [hbm4b:s2+s12], $0x80, s25, s12, $0xb8;
	[tilespmem:$0x1C600] =	vst v63  }
0xc4: {  	_ = 	snop  }
0xc5: {  	[tilespmem:s5], [sflag:$0x3] =	stream.indirect.gather [hbm4b:s8+s12], $0x80, s20, s12, $0xb8;
	[tilespmem:$0x1C600] =	vst v63  }
0xc6: {  	_ = 	snop  }
0xc7: {  	[tilespmem:s29], [sflag:$0x4] =	stream.indirect.gather [hbm4b:s8+s12], $0x80, s4, s12, $0xb8;
	[tilespmem:$0x1C600] =	vst v63  }
0xc8: {  	_ =	swait.ge [sflag:s17], $0x2000  }
0xc9: {  	[sflag:s17] =	ssyncset.done $0x0  }
0xca: {  	[sflag:s17] =	ssyncadd.s32 $0xFFFFE000  }
0xcb: {  	_ =	swait.ge [sflag:s18], $0x2000  }
0xcc: {  	[sflag:s18] =	ssyncset.done $0x0  }
0xcd: {  	[sflag:s18] =	ssyncadd.s32 $0xFFFFE000  }
0xce: {  	_ =	swait.ge [sflag:s19], $0x2000  }
0xcf: {  	[sflag:s19] =	ssyncset.done $0x0  }
0xd0: {  	[sflag:s19] =	ssyncadd.s32 $0xFFFFE000  }
0xd1: {  	_ =	swait.ge [sflag:s28], $0x2000  }
0xd2: {  	p0 =	seq.s32 s11, $0x9C0;
	[sflag:s28] =	ssyncset.done $0x0  }
0xd3: {  	s0 =	sadd.s32 @!p0 s11, s13;
	[sflag:s28] =	ssyncadd.s32 $0xFFFFE000  }
0xd4: {  	[spmem:s3] =	stream.indirect.scatter.add.f32 [tilespmem:s14], [sflag:$0x5], $0x80, s26, s12, $0xb8;
	[tilespmem:$0x1C600] =	vst v63  }
0xd5: {  	s0 =	sadd.s32 @!p0 $0x40, s0;
	s4 =	sxor.u32 @!p0 $0xFFFFFFFF, s11  }
0xd6: {  	[spmem:s3] =	stream.indirect.scatter.add.f32 [tilespmem:s15], [sflag:$0x6], $0x80, s1, s12, $0xb8;
	[tilespmem:$0x1C600] =	vst v63  }
0xd7: {  	s0 =	sand.u32 @!p0 $0xFFFFF80, s0;
	s4 =	sand.u32 @!p0 $0x40, s4  }
0xd8: {  	[spmem:s3] =	stream.indirect.scatter.add.f32 [tilespmem:s5], [sflag:$0x7], $0x80, s26, s12, $0xb8;
	[tilespmem:$0x1C600] =	vst v63  }
0xd9: {  	s0 =	sor.u32 @!p0 s4, s0  }
0xda: {  	[spmem:s3] =	stream.indirect.scatter.add.f32 [tilespmem:s29], [sflag:$0x8], $0x80, s1, s12, $0xb8;
	[tilespmem:$0x1C600] =	vst v63  }
0xdb: {  	s20 =	simm.s32 @!p0 $0x0;
	s4 =	sadd.s32 @!p0 s24, s0  }
0xdc: {  	[tilespmem:s20], [sflag:$0x9] =	stream.linear.gather @!p0 [hbm4b:s4+s20], $0x80, $0x38;
	[tilespmem:$0x1C600] =	vst v63  }
0xdd: {  	s4 =	simm.s32 @!p0 $0x9  }
0xde: {  	_ =	swait.ge @!p0 [sflag:s4], $0x80  }
0xdf: {  	s21 =	sor.u32 @!p0 $0x10, s0;
	[sflag:s4] =	ssyncset.done @!p0 $0x0  }
0xe0: {  	s25 =	sadd.s32 @!p0 s24, s21;
	s26 =	simm.s32 @!p0 $0x80;
	[sflag:s4] =	ssyncadd.s32 @!p0 $0xFFFFFF80  }
0xe1: {  	[tilespmem:s26], [sflag:$0x9] =	stream.linear.gather @!p0 [hbm4b:s25+s20], $0x80, $0x38;
	[tilespmem:$0x1C600] =	vst v63  }
0xe2: {  	_ =	swait.ge @!p0 [sflag:s4], $0x80  }
0xe3: {  	[sflag:s4] =	ssyncset.done @!p0 $0x0  }
0xe4: {  	s25 =	sadd.s32 @!p0 s6, s0;
	s26 =	simm.s32 @!p0 $0x200;
	[sflag:s4] =	ssyncadd.s32 @!p0 $0xFFFFFF80  }
0xe5: {  	[tilespmem:s26], [sflag:$0x9] =	stream.linear.gather @!p0 [hbm4b:s25+s20], $0x80, $0x38;
	[tilespmem:$0x1C600] =	vst v63  }
0xe6: {  	_ =	swait.ge @!p0 [sflag:s4], $0x80  }
0xe7: {  	[sflag:s4] =	ssyncset.done @!p0 $0x0  }
0xe8: {  	s25 =	sadd.s32 @!p0 s6, s21;
	s26 =	simm.s32 @!p0 $0x280;
	[sflag:s4] =	ssyncadd.s32 @!p0 $0xFFFFFF80  }
0xe9: {  	[tilespmem:s26], [sflag:$0x9] =	stream.linear.gather @!p0 [hbm4b:s25+s20], $0x80, $0x38;
	[tilespmem:$0x1C600] =	vst v63  }
0xea: {  	_ =	swait.ge @!p0 [sflag:s4], $0x80  }
0xeb: {  	[sflag:s4] =	ssyncset.done @!p0 $0x0  }
0xec: {  	s0 =	sadd.s32 @!p0 s7, s0;
	s25 =	simm.s32 @!p0 $0x400;
	[sflag:s4] =	ssyncadd.s32 @!p0 $0xFFFFFF80  }
0xed: {  	[tilespmem:s25], [sflag:$0x9] =	stream.linear.gather @!p0 [hbm4b:s0+s20], $0x80, $0x38;
	[tilespmem:$0x1C600] =	vst v63  }
0xee: {  	_ =	swait.ge @!p0 [sflag:s4], $0x80  }
0xef: {  	[sflag:s4] =	ssyncset.done @!p0 $0x0  }
0xf0: {  	s0 =	sadd.s32 @!p0 s7, s21;
	s21 =	simm.s32 @!p0 $0x480;
	[sflag:s4] =	ssyncadd.s32 @!p0 $0xFFFFFF80  }
0xf1: {  	[tilespmem:s21], [sflag:$0x9] =	stream.linear.gather @!p0 [hbm4b:s0+s20], $0x80, $0x38;
	[tilespmem:$0x1C600] =	vst v63  }
0xf2: {  	_ =	swait.ge @!p0 [sflag:s4], $0x80  }
0xf3: {  	[sflag:s4] =	ssyncset.done @!p0 $0x0  }
0xf4: {  	[sflag:s4] =	ssyncadd.s32 @!p0 $0xFFFFFF80  }
0xf5: {  	_ =	swait.ge [sflag:s9], $0x2000  }
0xf6: {  	[sflag:s9] =	ssyncset.done $0x0  }
0xf7: {  	[sflag:s9] =	ssyncadd.s32 $0xFFFFE000  }
0xf8: {  	_ =	swait.ge [sflag:s31], $0x2000  }
0xf9: {  	[sflag:s31] =	ssyncset.done $0x0  }
0xfa: {  	[sflag:s31] =	ssyncadd.s32 $0xFFFFE000  }
0xfb: {  	_ =	swait.ge [sflag:s10], $0x2000  }
.Ltmp3:
0xfc: {  	[sflag:s10] =	ssyncset.done $0x0;
	(pc) =	sbr.rel @p0 .LBB2_6-.Ltmp3, $4  }
0xfd: {  	[sflag:s10] =	ssyncadd.s32 $0xFFFFE000  }
0xfe: {  	_ =	swait.ge [sflag:s23], $0x2000  }
0xff: {  	[sflag:s23] =	ssyncset.done $0x0  }
0x100: {  	s22 =	simm.s32 $0x200;
	s1 =	simm.s32 $0x6600;
	[sflag:s23] =	ssyncadd.s32 $0xFFFFE000  }
0x101: {  	[tilespmem:s14], [sflag:$0x1] =	stream.indirect.gather [hbm4b:s2+s12], $0x80, s16, s12, $0xb8;
	[tilespmem:$0x1C600] =	vst v63  }
0x102: {  	s0 =	simm.s32 $0x80  }
0x103: {  	[tilespmem:s15], [sflag:$0x2] =	stream.indirect.gather [hbm4b:s2+s12], $0x80, s0, s12, $0xb8;
	[tilespmem:$0x1C600] =	vst v63  }
.Ltmp4:
0x104: {  	s25 =	simm.s32 $0x400;
	(pc) =	sbr.rel .LBB2_4-.Ltmp4, $4  }
0x105: {  	s26 =	simm.s32 $0x480;
	s11 =	sadd.s32 $0x40, s11;
	s13 =	simm.s32 $0x600  }
0x106: {  	[tilespmem:s5], [sflag:$0x3] =	stream.indirect.gather [hbm4b:s8+s12], $0x80, s25, s12, $0xb8;
	[tilespmem:$0x1C600] =	vst v63  }
0x107: {  	s14 =	simm.s32 $0x2600;
	s15 =	simm.s32 $0x4600;
	s25 =	simm.s32 $0x0  }
0x108: {  	[tilespmem:s1], [sflag:$0x4] =	stream.indirect.gather [hbm4b:s8+s12], $0x80, s26, s12, $0xb8;
	[tilespmem:$0x1C600] =	vst v63  }
.LBB2_7:
0x109: {  	_ =	sfence.sel $0x180000  }
0x10a: {  	[bflag:$0x0] =	sbarrier.arrive $0xFFFF  }
0x10b: {  	_ =	strace $0x90000047  }
0x10c: {  	s0 =	stileid.u32;
	[bflag:$0x2] =	sbarrier.arrive $0xFFFF  }
0x10d: {  	p0 =	sne.s32 s0, $0x0;
	s0 =	rddreg [dreg:$0x4]  }
0x10e: {  	s0 =	sadd.s32 @!p0 $0x100000, s0  }
0x10f: {  	[sflag:s0] =	ssyncadd.tile.s32 @!p0 $0x1;
	_ =	shalt  }
.Lfunc_end2:
_tile_overlayer_lowered:
.L_overlay_start_2:
0x110: {  	(tag) =	ssettag $0x2  }
0x111: {  	s0 =	rddreg [dreg:$0x0];
	s2 =	stileid.u32  }
0x112: {  	s1 =	rddreg [dreg:$0x1];
	p0 =	sne.s32 s2, $0x0  }
0x113: {  	s3 =	rddreg [dreg:$0x2];
	[bflag:$0x3] =	sbarrier.arrive $0xFFFF;
	s2 =	simm.s32 @!p0 $0x1C09  }
0x114: {  	[timem:s3], [sflag:s2] =	dma.local @!p0 [hbm:s0], s1  }
0x115: {  	s0 =	simm.s32 @!p0 $0x9  }
0x116: {  	_ =	swait.ge @!p0 [sflag:s0], s1  }
0x117: {  	s1 =	ssub.s32 @!p0 $0x0, s1;
	[sflag:s0] =	ssyncset.done @!p0 $0x0  }
0x118: {  	[sflag:s0] =	ssyncadd.s32 @!p0 s1  }
0x119: {  	[bflag:$0x3] =	sbarrier.arrive $0xFFFF  }
0x11a: {  	_ =	shalt  }

</sc_bundles>
